<compile_context>
chip_gen: v7x
topology: tpu7x:2x2x1
jax: 0.10.2.dev20260603
libtpu: 0.0.44.dev20260713+nightly
codegen_flags: <defaults>
</compile_context>

<pallas_src>
import functools

import jax
import jax.numpy as jnp
from jax import lax
from jax.experimental import pallas as pl
from jax.experimental.pallas import tpu as pltpu
from jax.experimental.pallas import tpu_sc as plsc

N = 10000
NPAD = 10240
D = 128
E = 320000
E2 = 2 * E

_ROWS_A = 512


def _score_body(x_ref, wt_ref, b_ref, srow_ref, scol_ref, y_ref, sflat_ref):
    i = pl.program_id(0)
    xb = x_ref[...]
    wt = wt_ref[...]
    z = jnp.dot(xb, wt, preferred_element_type=jnp.float32) + b_ref[0, 0]
    s = jnp.tanh(z[:, :1])
    grow = i * _ROWS_A + lax.broadcasted_iota(jnp.int32, (_ROWS_A, 1), 0)
    s = jnp.where(grow >= N, jnp.float32(-2.0), s)
    scol_ref[...] = s
    srow_ref[...] = s.reshape(1, _ROWS_A)
    sflat_ref[...] = s.reshape(_ROWS_A)
    y_ref[...] = xb * s


_score_call = pl.pallas_call(
    _score_body,
    grid=(NPAD // _ROWS_A,),
    in_specs=[
        pl.BlockSpec((_ROWS_A, D), lambda i: (i, 0)),
        pl.BlockSpec((D, 8), lambda i: (0, 0)),
        pl.BlockSpec((1, 1), lambda i: (0, 0)),
    ],
    out_specs=[
        pl.BlockSpec((1, _ROWS_A), lambda i: (0, i)),
        pl.BlockSpec((_ROWS_A, 1), lambda i: (i, 0)),
        pl.BlockSpec((_ROWS_A, D), lambda i: (i, 0)),
        pl.BlockSpec((_ROWS_A,), lambda i: (i,)),
    ],
    out_shape=[
        jax.ShapeDtypeStruct((1, NPAD), jnp.float32),
        jax.ShapeDtypeStruct((NPAD, 1), jnp.float32),
        jax.ShapeDtypeStruct((NPAD, D), jnp.float32),
        jax.ShapeDtypeStruct((N,), jnp.float32),
    ],
)

_BI = 2048
_BJ = 2048
_NJ = NPAD // _BJ


def _sub_fold(c):
    return jnp.sum(c.astype(jnp.int32).reshape(_BJ // 8, 8, _BI), axis=0)


def _rank_body(s_row_ref, s_col_ref, rank_ref, rank1d_ref, acc_ref):
    i = pl.program_id(0)
    j = pl.program_id(1)
    si = s_row_ref[...]
    sj = s_col_ref[...]
    ifirst = i * _BI
    jfirst = j * _BJ
    low = jfirst + _BJ - 1 < ifirst
    high = jfirst > ifirst + _BI - 1

    @pl.when(j == 0)
    def _():
        acc_ref[...] = jnp.zeros_like(acc_ref)

    @pl.when(low)
    def _():
        acc_ref[...] += _sub_fold(sj >= si)

    @pl.when(high)
    def _():
        acc_ref[...] += _sub_fold(sj > si)

    @pl.when(jnp.logical_not(low | high))
    def _():
        gi = ifirst + lax.broadcasted_iota(jnp.int32, (_BJ, _BI), 1)
        gj = jfirst + lax.broadcasted_iota(jnp.int32, (_BJ, _BI), 0)
        acc_ref[...] += _sub_fold((sj > si) | ((sj == si) & (gj < gi)))

    @pl.when(j == _NJ - 1)
    def _():
        total = jnp.sum(acc_ref[...], axis=0, keepdims=True)
        rank_ref[...] = total
        rank1d_ref[...] = total.reshape(_BI)


_rank_call = pl.pallas_call(
    _rank_body,
    grid=(NPAD // _BI, _NJ),
    in_specs=[
        pl.BlockSpec((1, _BI), lambda i, j: (0, i)),
        pl.BlockSpec((_BJ, 1), lambda i, j: (j, 0)),
    ],
    out_specs=[
        pl.BlockSpec((1, _BI), lambda i, j: (0, i)),
        pl.BlockSpec((_BI,), lambda i, j: (i,)),
    ],
    out_shape=[
        jax.ShapeDtypeStruct((1, NPAD), jnp.int32),
        jax.ShapeDtypeStruct((N,), jnp.int32),
    ],
    scratch_shapes=[pltpu.VMEM((8, _BI), jnp.int32)],
)

_NC = 2
_NS = 16
_NW = _NC * _NS
_ROWC = 128
_NCHUNK = N // _ROWC
_NTAIL = N - _NCHUNK * _ROWC
_CPT = (_NCHUNK + _NW - 1) // _NW
_TAIL_TILE = _NCHUNK % _NW
_ZC = 312

_EW_BIG = 79 * 128
_EW_SMALL = 78 * 128
_EBIG = 4


def _sc_body(y_hbm, rank_hbm, eidx_hbm, xp_hbm, eout_hbm, perm_hbm, bat_hbm,
             table_v, eidx_v, eout_v, rows_v, rk_v, vals_v,
             trows_v, trk_v, tvals_v, zero_v,
             sem_t, sem_e, sem_eo, sem_ld, sem_s):
    wid = lax.axis_index("s") * _NC + lax.axis_index("c")
    is_big = wid < _EBIG
    ecol = jnp.where(is_big, wid * _EW_BIG,
                     _EBIG * _EW_BIG + (wid - _EBIG) * _EW_SMALL)

    tbl_cp = pltpu.make_async_copy(rank_hbm, table_v, sem_t)
    tbl_cp.start()

    @pl.when(is_big)
    def _():
        pltpu.make_async_copy(
            eidx_hbm.at[:, pl.ds(ecol, _EW_BIG)], eidx_v, sem_e).start()

    @pl.when(jnp.logical_not(is_big))
    def _():
        pltpu.make_async_copy(
            eidx_hbm.at[:, pl.ds(ecol, _EW_SMALL)],
            eidx_v.at[:, pl.ds(0, _EW_SMALL)], sem_e).start()

    for t in range(_CPT):
        cid = wid + _NW * t

        @pl.when(cid < _NCHUNK)
        def _():
            r0 = cid * _ROWC
            pltpu.make_async_copy(
                y_hbm.at[pl.ds(r0, _ROWC)], rows_v.at[t], sem_ld).start()
            pltpu.make_async_copy(
                rank_hbm.at[pl.ds(r0, _ROWC)], rk_v.at[t], sem_ld).start()

    @pl.when(wid == _TAIL_TILE)
    def _():
        pltpu.make_async_copy(
            y_hbm.at[pl.ds(_NCHUNK * _ROWC, _NTAIL)], trows_v, sem_ld).start()
        pltpu.make_async_copy(
            rank_hbm.at[pl.ds(_NCHUNK * _ROWC, _NTAIL)], trk_v, sem_ld).start()

    tbl_cp.wait()

    @pl.when(is_big)
    def _():
        pltpu.make_async_copy(
            eidx_hbm.at[:, pl.ds(ecol, _EW_BIG)], eidx_v, sem_e).wait()

    @pl.when(jnp.logical_not(is_big))
    def _():
        pltpu.make_async_copy(
            eidx_hbm.at[:, pl.ds(ecol, _EW_SMALL)],
            eidx_v.at[:, pl.ds(0, _EW_SMALL)], sem_e).wait()

    for r in range(2):
        def _edge_step(t, carry, _r=r):
            base = t * 64
            for q in range(4):
                idx16 = eidx_v[_r, pl.ds(base + q * 16, 16)]
                eout_v[_r, pl.ds(base + q * 16, 16)] = plsc.load_gather(
                    table_v, [idx16])
            return carry

        lax.fori_loop(0, _EW_SMALL // 64, _edge_step, 0)

        @pl.when(is_big)
        def _(_r=r):
            def _tail_step(t, carry):
                base = _EW_SMALL + t * 64
                for q in range(4):
                    idx16 = eidx_v[_r, pl.ds(base + q * 16, 16)]
                    eout_v[_r, pl.ds(base + q * 16, 16)] = (
                        plsc.load_gather(table_v, [idx16]))
                return carry

            lax.fori_loop(0, (_EW_BIG - _EW_SMALL) // 64, _tail_step, 0)

    @pl.when(is_big)
    def _():
        pltpu.make_async_copy(
            eout_v, eout_hbm.at[:, pl.ds(ecol, _EW_BIG)], sem_eo).start()

    @pl.when(jnp.logical_not(is_big))
    def _():
        pltpu.make_async_copy(
            eout_v.at[:, pl.ds(0, _EW_SMALL)],
            eout_hbm.at[:, pl.ds(ecol, _EW_SMALL)], sem_eo).start()

    for t in range(_CPT):
        cid = wid + _NW * t

        @pl.when(cid < _NCHUNK)
        def _():
            r0 = cid * _ROWC
            pltpu.make_async_copy(
                y_hbm.at[pl.ds(r0, _ROWC)], rows_v.at[t], sem_ld).wait()
            pltpu.make_async_copy(
                rank_hbm.at[pl.ds(r0, _ROWC)], rk_v.at[t], sem_ld).wait()

    @pl.when(wid == _TAIL_TILE)
    def _():
        pltpu.make_async_copy(
            y_hbm.at[pl.ds(_NCHUNK * _ROWC, _NTAIL)], trows_v, sem_ld).wait()
        pltpu.make_async_copy(
            rank_hbm.at[pl.ds(_NCHUNK * _ROWC, _NTAIL)], trk_v, sem_ld).wait()

    for t in range(_CPT):
        cid = wid + _NW * t

        @pl.when(cid < _NCHUNK)
        def _():
            r0 = cid * _ROWC
            for q in range(_ROWC // 16):
                vals_v.at[t][pl.ds(q * 16, 16)] = (
                    r0 + q * 16 + lax.iota(jnp.int32, 16))
            pltpu.make_async_copy(
                rows_v.at[t], xp_hbm.at[rk_v.at[t]], sem_s).start()
            pltpu.make_async_copy(
                vals_v.at[t], perm_hbm.at[rk_v.at[t]], sem_s).start()

    @pl.when(wid == _TAIL_TILE)
    def _():
        tvals_v[...] = _NCHUNK * _ROWC + lax.iota(jnp.int32, 16)
        pltpu.make_async_copy(
            trows_v, xp_hbm.at[trk_v], sem_s).start()
        pltpu.make_async_copy(
            tvals_v, perm_hbm.at[trk_v], sem_s).start()

    for q in range(320 // 16):
        zero_v[pl.ds(q * 16, 16)] = jnp.zeros((16,), jnp.int32)
    zrep = pltpu.make_async_copy(
        zero_v.at[pl.ds(0, _ZC)], bat_hbm.at[pl.ds(wid * _ZC, _ZC)], sem_eo)
    zrep.start()

    @pl.when(wid == 0)
    def _():
        pltpu.make_async_copy(
            zero_v.at[pl.ds(0, 16)],
            bat_hbm.at[pl.ds(_NW * _ZC, N - _NW * _ZC)], sem_eo).start()

    for t in range(_CPT):
        cid = wid + _NW * t

        @pl.when(cid < _NCHUNK)
        def _():
            pltpu.make_async_copy(
                rows_v.at[t], xp_hbm.at[rk_v.at[t]], sem_s).wait()
            pltpu.make_async_copy(
                vals_v.at[t], perm_hbm.at[rk_v.at[t]], sem_s).wait()

    @pl.when(wid == _TAIL_TILE)
    def _():
        pltpu.make_async_copy(
            trows_v, xp_hbm.at[trk_v], sem_s).wait()
        pltpu.make_async_copy(
            tvals_v, perm_hbm.at[trk_v], sem_s).wait()

    zrep.wait()

    @pl.when(wid == 0)
    def _():
        pltpu.make_async_copy(
            zero_v.at[pl.ds(0, 16)],
            bat_hbm.at[pl.ds(_NW * _ZC, N - _NW * _ZC)], sem_eo).wait()

    @pl.when(is_big)
    def _():
        pltpu.make_async_copy(
            eout_v, eout_hbm.at[:, pl.ds(ecol, _EW_BIG)], sem_eo).wait()

    @pl.when(jnp.logical_not(is_big))
    def _():
        pltpu.make_async_copy(
            eout_v.at[:, pl.ds(0, _EW_SMALL)],
            eout_hbm.at[:, pl.ds(ecol, _EW_SMALL)], sem_eo).wait()


@functools.lru_cache(maxsize=1)
def _sc_scatter_call():
    mesh = plsc.VectorSubcoreMesh(core_axis_name="c", subcore_axis_name="s",
                                  num_cores=_NC, num_subcores=_NS)
    return pl.kernel(
        _sc_body,
        out_type=[
            jax.ShapeDtypeStruct((N, D), jnp.float32),
            jax.ShapeDtypeStruct((2, E), jnp.int32),
            jax.ShapeDtypeStruct((N,), jnp.int32),
            jax.ShapeDtypeStruct((N,), jnp.int32),
        ],
        mesh=mesh,
        compiler_params=pltpu.CompilerParams(needs_layout_passes=False),
        scratch_types=[
            pltpu.VMEM((N,), jnp.int32),
            pltpu.VMEM((2, _EW_BIG), jnp.int32),
            pltpu.VMEM((2, _EW_BIG), jnp.int32),
            pltpu.VMEM((_CPT, _ROWC, D), jnp.float32),
            pltpu.VMEM((_CPT, _ROWC), jnp.int32),
            pltpu.VMEM((_CPT, _ROWC), jnp.int32),
            pltpu.VMEM((_NTAIL, D), jnp.float32),
            pltpu.VMEM((_NTAIL,), jnp.int32),
            pltpu.VMEM((_NTAIL,), jnp.int32),
            pltpu.VMEM((320,), jnp.int32),
            pltpu.SemaphoreType.DMA,
            pltpu.SemaphoreType.DMA,
            pltpu.SemaphoreType.DMA,
            pltpu.SemaphoreType.DMA,
            pltpu.SemaphoreType.DMA,
        ],
    )


def kernel(x, edge_index, edge_attr, batch, W, b):
    wt8 = jnp.concatenate([W.T.astype(jnp.float32),
                           jnp.zeros((D, 7), jnp.float32)], axis=1)
    srow, scol, y, s_flat = _score_call(
        x, wt8, b.reshape(1, 1).astype(jnp.float32))
    _, rank = _rank_call(srow, scol)

    xp, edge_index_out, perm, batch_out = _sc_scatter_call()(
        y, rank, edge_index)
    return (xp, edge_index_out, edge_attr, batch_out, perm, s_flat)

# --- scband reference (transcript-rebuilt; emitter-appended) ---
"""Pipeline reference for scband-top-kpool-81003083203034 (READ-ONLY COPY).

The authoritative reference and input builder live on the scoring server;
editing this copy changes nothing except your own understanding.
"""

import jax, jax.numpy as jnp
import numpy as np

N = 10000
E = 320000
D = 128
DE = 16
RATIO = 10000.0
MULT = 1.0


def setup_inputs(seed: int = 0) -> dict:
    key = jax.random.key(seed)
    k1, k2, k3, k4 = jax.random.split(key, 4)
    x = jax.random.normal(k1, (N, D), dtype=jnp.float32)
    edge_index = jax.random.randint(k2, (2, E), 0, N)
    edge_attr = jax.random.normal(k3, (E, DE), dtype=jnp.float32)
    batch = jnp.zeros((N,), dtype=jnp.int32)
    # Linear(in_channels, 1) parameters
    W = jax.random.normal(k4, (1, D), dtype=jnp.float32) * (1.0 / np.sqrt(D))
    b = jnp.zeros((1,), dtype=jnp.float32)
    return {"x": x, "edge_index": edge_index, "edge_attr": edge_attr, "batch": batch, "W": W, "b": b}


def filter_adj(edge_index, edge_attr, perm, num_nodes):
    mask = jnp.zeros((num_nodes,), dtype=bool).at[perm].set(True)
    row, col = edge_index[0], edge_index[1]
    mask_edges = mask[row] & mask[col]
    keep = jnp.nonzero(mask_edges, size=mask_edges.shape[0])[0]
    edge_index = edge_index[:, keep]
    if edge_attr is not None:
        edge_attr = edge_attr[keep]
    node_map = jnp.zeros((num_nodes,), dtype=jnp.int32).at[perm].set(
        jnp.arange(perm.shape[0], dtype=jnp.int32))
    edge_index = node_map[edge_index]
    return edge_index, edge_attr


def reference(x, edge_index, edge_attr, batch, W, b):
    score = (x @ W.T + b)[:, 0]
    score = MULT * jnp.tanh(score)
    num_graphs = 1
    perm_list = []
    batch_out_list = []
    for i in range(num_graphs):
        mask = batch == i
        node_ids = jnp.nonzero(mask, size=mask.shape[0])[0]
        num_nodes_i = int(node_ids.shape[0])
        if RATIO < 1:
            k = max(1, int(RATIO * num_nodes_i))
        else:
            k = min(int(RATIO), num_nodes_i)
        score_i = score[node_ids]
        _, idx = jax.lax.top_k(score_i, k)
        perm_i = node_ids[idx]
        perm_list.append(perm_i)
        batch_out_list.append(jnp.full((k,), i, dtype=jnp.int32))
    perm = jnp.concatenate(perm_list, axis=0)
    batch_out = jnp.concatenate(batch_out_list, axis=0)
    x_pooled = x[perm] * score[perm][:, None]
    edge_index_out, edge_attr_out = filter_adj(edge_index, edge_attr, perm, num_nodes=x_pooled.shape[0])
    return (x_pooled, edge_index_out, edge_attr_out, batch_out, perm, score)

if __name__ == "__main__":
    import jax
    _d = setup_inputs()
    print(jax.jit(kernel)(*tuple(_d.values())))

</pallas_src>

<mosaic_0001>
#map = affine_map<(d0, d1) -> (0, 0)>
#map1 = affine_map<(d0, d1) -> (0)>
module attributes {stable_mosaic.version = 14 : i64} {
  func.func @_sc_body(%arg0: i32, %arg1: i32, %arg2: memref<10240x128xf32, #tpu.memory_space<hbm>>, %arg3: memref<10000xi32, #tpu.memory_space<hbm>>, %arg4: memref<2x320000xi32, #tpu.memory_space<hbm>>, %arg5: memref<10000x128xf32, #tpu.memory_space<hbm>>, %arg6: memref<2x320000xi32, #tpu.memory_space<hbm>>, %arg7: memref<10000xi32, #tpu.memory_space<hbm>>, %arg8: memref<10000xi32, #tpu.memory_space<hbm>>, %arg9: memref<10000xi32, #tpu.memory_space<vmem>>, %arg10: memref<2x10112xi32, #tpu.memory_space<vmem>>, %arg11: memref<2x10112xi32, #tpu.memory_space<vmem>>, %arg12: memref<3x128x128xf32, #tpu.memory_space<vmem>>, %arg13: memref<3x128xi32, #tpu.memory_space<vmem>>, %arg14: memref<3x128xi32, #tpu.memory_space<vmem>>, %arg15: memref<16x128xf32, #tpu.memory_space<vmem>>, %arg16: memref<16xi32, #tpu.memory_space<vmem>>, %arg17: memref<16xi32, #tpu.memory_space<vmem>>, %arg18: memref<320xi32, #tpu.memory_space<vmem>>, %arg19: memref<!tpu.dma_semaphore, #tpu.memory_space<semaphore_mem>>, %arg20: memref<!tpu.dma_semaphore, #tpu.memory_space<semaphore_mem>>, %arg21: memref<!tpu.dma_semaphore, #tpu.memory_space<semaphore_mem>>, %arg22: memref<!tpu.dma_semaphore, #tpu.memory_space<semaphore_mem>>, %arg23: memref<!tpu.dma_semaphore, #tpu.memory_space<semaphore_mem>>) attributes {dimension_semantics = [#tpu.dimension_semantics<core_parallel>, #tpu.dimension_semantics<subcore_parallel>], iteration_bounds = array<i64: 2, 16>, scalar_prefetch = 0 : i64, scratch_operands = 15 : i64, tpu.core_type = #tpu.core_type<sc_vector_subcore>, window_params = [{transform_indices = #map}, {transform_indices = #map1}, {transform_indices = #map}, {transform_indices = #map}, {transform_indices = #map}, {transform_indices = #map1}, {transform_indices = #map1}]} {
    %mul3A = arith.constant 2 : i32
    %mul3A_0 = arith.muli %arg1, %mul3A : i32
    %add3A = arith.addi %mul3A_0, %arg0 : i32
    %lt3A = arith.constant 4 : i32
    %lt3A_1 = arith.cmpi slt, %add3A, %lt3A : i32
    %mul3A_2 = arith.constant 10112 : i32
    %mul3A_3 = arith.muli %add3A, %mul3A_2 : i32
    %sub3A = arith.constant 4 : i32
    %sub3A_4 = arith.subi %add3A, %sub3A : i32
    %mul3A_5 = arith.constant 9984 : i32
    %mul3A_6 = arith.muli %sub3A_4, %mul3A_5 : i32
    %add3A_7 = arith.constant 40448 : i32
    %add3A_8 = arith.addi %add3A_7, %mul3A_6 : i32
    %select_n3A = arith.select %lt3A_1, %mul3A_3, %add3A_8 : i32
    tpu.enqueue_dma source(%arg3 : memref<10000xi32, #tpu.memory_space<hbm>>) target(%arg9 : memref<10000xi32, #tpu.memory_space<vmem>>) target_semaphore(%arg19 : memref<!tpu.dma_semaphore, #tpu.memory_space<semaphore_mem>>)
    %convert_element_type3A = arith.extui %lt3A_1 : i1 to i32
    %cond3A = arith.constant 0 : i32
    %cond3A_9 = arith.cmpi ne, %convert_element_type3A, %cond3A : i32
    scf.if %cond3A_9 {
      %dma_start3A_258 = arith.constant 0 : i32
      %dma_start3A_259 = tpu.memref_slice %arg4[%dma_start3A_258, %select_n3A] : memref<2x320000xi32, #tpu.memory_space<hbm>> -> memref<2x10112xi32, #tpu.memory_space<hbm>>
      %dma_start3A_260 = arith.constant 0 : i32
      %dma_start3A_261 = tpu.memref_slice %arg4[%dma_start3A_260, %select_n3A] : memref<2x320000xi32, #tpu.memory_space<hbm>> -> memref<2x10112xi32, #tpu.memory_space<hbm>>
      tpu.enqueue_dma source(%dma_start3A_261 : memref<2x10112xi32, #tpu.memory_space<hbm>>) target(%arg10 : memref<2x10112xi32, #tpu.memory_space<vmem>>) target_semaphore(%arg20 : memref<!tpu.dma_semaphore, #tpu.memory_space<semaphore_mem>>)
    } else {
    }
    %not3A = arith.constant true
    %not3A_10 = arith.xori %lt3A_1, %not3A : i1
    %convert_element_type3A_11 = arith.extui %not3A_10 : i1 to i32
    %cond3A_12 = arith.constant 0 : i32
    %cond3A_13 = arith.cmpi ne, %convert_element_type3A_11, %cond3A_12 : i32
    scf.if %cond3A_13 {
      %dma_start3A_258 = arith.constant 0 : i32
      %dma_start3A_259 = arith.constant 0 : i32
      %dma_start3A_260 = tpu.memref_slice %arg10[%dma_start3A_258, %dma_start3A_259] : memref<2x10112xi32, #tpu.memory_space<vmem>> -> memref<2x9984xi32, #tpu.memory_space<vmem>>
      %dma_start3A_261 = arith.constant 0 : i32
      %dma_start3A_262 = tpu.memref_slice %arg4[%dma_start3A_261, %select_n3A] : memref<2x320000xi32, #tpu.memory_space<hbm>> -> memref<2x9984xi32, #tpu.memory_space<hbm>>
      %dma_start3A_263 = arith.constant 0 : i32
      %dma_start3A_264 = arith.constant 0 : i32
      %dma_start3A_265 = tpu.memref_slice %arg10[%dma_start3A_263, %dma_start3A_264] : memref<2x10112xi32, #tpu.memory_space<vmem>> -> memref<2x9984xi32, #tpu.memory_space<vmem>>
      %dma_start3A_266 = arith.constant 0 : i32
      %dma_start3A_267 = tpu.memref_slice %arg4[%dma_start3A_266, %select_n3A] : memref<2x320000xi32, #tpu.memory_space<hbm>> -> memref<2x9984xi32, #tpu.memory_space<hbm>>
      tpu.enqueue_dma source(%dma_start3A_267 : memref<2x9984xi32, #tpu.memory_space<hbm>>) target(%dma_start3A_265 : memref<2x9984xi32, #tpu.memory_space<vmem>>) target_semaphore(%arg20 : memref<!tpu.dma_semaphore, #tpu.memory_space<semaphore_mem>>)
    } else {
    }
    %add3A_14 = arith.constant 0 : i32
    %add3A_15 = arith.addi %add3A, %add3A_14 : i32
    %lt3A_16 = arith.constant 78 : i32
    %lt3A_17 = arith.cmpi slt, %add3A_15, %lt3A_16 : i32
    %convert_element_type3A_18 = arith.extui %lt3A_17 : i1 to i32
    %cond3A_19 = arith.constant 0 : i32
    %cond3A_20 = arith.cmpi ne, %convert_element_type3A_18, %cond3A_19 : i32
    scf.if %cond3A_20 {
      %mul3A_258 = arith.constant 128 : i32
      %mul3A_259 = arith.muli %add3A_15, %mul3A_258 : i32
      %dma_start3A_260 = arith.constant 0 : i32
      %dma_start3A_261 = arith.constant 0 : i32
      %dma_start3A_262 = arith.constant 0 : i32
      %dma_start3A_263 = tpu.memref_slice %arg12[%dma_start3A_260, %dma_start3A_261, %dma_start3A_262] : memref<3x128x128xf32, #tpu.memory_space<vmem>> -> memref<1x128x128xf32, #tpu.memory_space<vmem>>
      %dma_start3A_264 = tpu.memref_squeeze %dma_start3A_263 : memref<1x128x128xf32, #tpu.memory_space<vmem>> -> memref<128x128xf32, #tpu.memory_space<vmem>>
      %dma_start3A_265 = arith.constant 0 : i32
      %dma_start3A_266 = tpu.memref_slice %arg2[%mul3A_259, %dma_start3A_265] : memref<10240x128xf32, #tpu.memory_space<hbm>> -> memref<128x128xf32, #tpu.memory_space<hbm>>
      %dma_start3A_267 = arith.constant 0 : i32
      %dma_start3A_268 = arith.constant 0 : i32
      %dma_start3A_269 = tpu.memref_slice %arg12[%dma_start3A_260, %dma_start3A_267, %dma_start3A_268] : memref<3x128x128xf32, #tpu.memory_space<vmem>> -> memref<1x128x128xf32, #tpu.memory_space<vmem>>
      %dma_start3A_270 = tpu.memref_squeeze %dma_start3A_269 : memref<1x128x128xf32, #tpu.memory_space<vmem>> -> memref<128x128xf32, #tpu.memory_space<vmem>>
      %dma_start3A_271 = arith.constant 0 : i32
      %dma_start3A_272 = tpu.memref_slice %arg2[%mul3A_259, %dma_start3A_271] : memref<10240x128xf32, #tpu.memory_space<hbm>> -> memref<128x128xf32, #tpu.memory_space<hbm>>
      tpu.enqueue_dma source(%dma_start3A_272 : memref<128x128xf32, #tpu.memory_space<hbm>>) target(%dma_start3A_270 : memref<128x128xf32, #tpu.memory_space<vmem>>) target_semaphore(%arg22 : memref<!tpu.dma_semaphore, #tpu.memory_space<semaphore_mem>>)
      %dma_start3A_273 = arith.constant 0 : i32
      %dma_start3A_274 = arith.constant 0 : i32
      %dma_start3A_275 = tpu.memref_slice %arg13[%dma_start3A_273, %dma_start3A_274] : memref<3x128xi32, #tpu.memory_space<vmem>> -> memref<1x128xi32, #tpu.memory_space<vmem>>
      %dma_start3A_276 = tpu.memref_squeeze %dma_start3A_275 : memref<1x128xi32, #tpu.memory_space<vmem>> -> memref<128xi32, #tpu.memory_space<vmem>>
      %dma_start3A_277 = tpu.memref_slice %arg3[%mul3A_259] : memref<10000xi32, #tpu.memory_space<hbm>> -> memref<128xi32, #tpu.memory_space<hbm>>
      %dma_start3A_278 = arith.constant 0 : i32
      %dma_start3A_279 = tpu.memref_slice %arg13[%dma_start3A_273, %dma_start3A_278] : memref<3x128xi32, #tpu.memory_space<vmem>> -> memref<1x128xi32, #tpu.memory_space<vmem>>
      %dma_start3A_280 = tpu.memref_squeeze %dma_start3A_279 : memref<1x128xi32, #tpu.memory_space<vmem>> -> memref<128xi32, #tpu.memory_space<vmem>>
      %dma_start3A_281 = tpu.memref_slice %arg3[%mul3A_259] : memref<10000xi32, #tpu.memory_space<hbm>> -> memref<128xi32, #tpu.memory_space<hbm>>
      tpu.enqueue_dma source(%dma_start3A_281 : memref<128xi32, #tpu.memory_space<hbm>>) target(%dma_start3A_280 : memref<128xi32, #tpu.memory_space<vmem>>) target_semaphore(%arg22 : memref<!tpu.dma_semaphore, #tpu.memory_space<semaphore_mem>>)
    } else {
    }
    %add3A_21 = arith.constant 32 : i32
    %add3A_22 = arith.addi %add3A, %add3A_21 : i32
    %lt3A_23 = arith.constant 78 : i32
    %lt3A_24 = arith.cmpi slt, %add3A_22, %lt3A_23 : i32
    %convert_element_type3A_25 = arith.extui %lt3A_24 : i1 to i32
    %cond3A_26 = arith.constant 0 : i32
    %cond3A_27 = arith.cmpi ne, %convert_element_type3A_25, %cond3A_26 : i32
    scf.if %cond3A_27 {
      %mul3A_258 = arith.constant 128 : i32
      %mul3A_259 = arith.muli %add3A_22, %mul3A_258 : i32
      %dma_start3A_260 = arith.constant 1 : i32
      %dma_start3A_261 = arith.constant 0 : i32
      %dma_start3A_262 = arith.constant 0 : i32
      %dma_start3A_263 = tpu.memref_slice %arg12[%dma_start3A_260, %dma_start3A_261, %dma_start3A_262] : memref<3x128x128xf32, #tpu.memory_space<vmem>> -> memref<1x128x128xf32, #tpu.memory_space<vmem>>
      %dma_start3A_264 = tpu.memref_squeeze %dma_start3A_263 : memref<1x128x128xf32, #tpu.memory_space<vmem>> -> memref<128x128xf32, #tpu.memory_space<vmem>>
      %dma_start3A_265 = arith.constant 0 : i32
      %dma_start3A_266 = tpu.memref_slice %arg2[%mul3A_259, %dma_start3A_265] : memref<10240x128xf32, #tpu.memory_space<hbm>> -> memref<128x128xf32, #tpu.memory_space<hbm>>
      %dma_start3A_267 = arith.constant 0 : i32
      %dma_start3A_268 = arith.constant 0 : i32
      %dma_start3A_269 = tpu.memref_slice %arg12[%dma_start3A_260, %dma_start3A_267, %dma_start3A_268] : memref<3x128x128xf32, #tpu.memory_space<vmem>> -> memref<1x128x128xf32, #tpu.memory_space<vmem>>
      %dma_start3A_270 = tpu.memref_squeeze %dma_start3A_269 : memref<1x128x128xf32, #tpu.memory_space<vmem>> -> memref<128x128xf32, #tpu.memory_space<vmem>>
      %dma_start3A_271 = arith.constant 0 : i32
      %dma_start3A_272 = tpu.memref_slice %arg2[%mul3A_259, %dma_start3A_271] : memref<10240x128xf32, #tpu.memory_space<hbm>> -> memref<128x128xf32, #tpu.memory_space<hbm>>
      tpu.enqueue_dma source(%dma_start3A_272 : memref<128x128xf32, #tpu.memory_space<hbm>>) target(%dma_start3A_270 : memref<128x128xf32, #tpu.memory_space<vmem>>) target_semaphore(%arg22 : memref<!tpu.dma_semaphore, #tpu.memory_space<semaphore_mem>>)
      %dma_start3A_273 = arith.constant 1 : i32
      %dma_start3A_274 = arith.constant 0 : i32
      %dma_start3A_275 = tpu.memref_slice %arg13[%dma_start3A_273, %dma_start3A_274] : memref<3x128xi32, #tpu.memory_space<vmem>> -> memref<1x128xi32, #tpu.memory_space<vmem>>
      %dma_start3A_276 = tpu.memref_squeeze %dma_start3A_275 : memref<1x128xi32, #tpu.memory_space<vmem>> -> memref<128xi32, #tpu.memory_space<vmem>>
      %dma_start3A_277 = tpu.memref_slice %arg3[%mul3A_259] : memref<10000xi32, #tpu.memory_space<hbm>> -> memref<128xi32, #tpu.memory_space<hbm>>
      %dma_start3A_278 = arith.constant 0 : i32
      %dma_start3A_279 = tpu.memref_slice %arg13[%dma_start3A_273, %dma_start3A_278] : memref<3x128xi32, #tpu.memory_space<vmem>> -> memref<1x128xi32, #tpu.memory_space<vmem>>
      %dma_start3A_280 = tpu.memref_squeeze %dma_start3A_279 : memref<1x128xi32, #tpu.memory_space<vmem>> -> memref<128xi32, #tpu.memory_space<vmem>>
      %dma_start3A_281 = tpu.memref_slice %arg3[%mul3A_259] : memref<10000xi32, #tpu.memory_space<hbm>> -> memref<128xi32, #tpu.memory_space<hbm>>
      tpu.enqueue_dma source(%dma_start3A_281 : memref<128xi32, #tpu.memory_space<hbm>>) target(%dma_start3A_280 : memref<128xi32, #tpu.memory_space<vmem>>) target_semaphore(%arg22 : memref<!tpu.dma_semaphore, #tpu.memory_space<semaphore_mem>>)
    } else {
    }
    %add3A_28 = arith.constant 64 : i32
    %add3A_29 = arith.addi %add3A, %add3A_28 : i32
    %lt3A_30 = arith.constant 78 : i32
    %lt3A_31 = arith.cmpi slt, %add3A_29, %lt3A_30 : i32
    %convert_element_type3A_32 = arith.extui %lt3A_31 : i1 to i32
    %cond3A_33 = arith.constant 0 : i32
    %cond3A_34 = arith.cmpi ne, %convert_element_type3A_32, %cond3A_33 : i32
    scf.if %cond3A_34 {
      %mul3A_258 = arith.constant 128 : i32
      %mul3A_259 = arith.muli %add3A_29, %mul3A_258 : i32
      %dma_start3A_260 = arith.constant 2 : i32
      %dma_start3A_261 = arith.constant 0 : i32
      %dma_start3A_262 = arith.constant 0 : i32
      %dma_start3A_263 = tpu.memref_slice %arg12[%dma_start3A_260, %dma_start3A_261, %dma_start3A_262] : memref<3x128x128xf32, #tpu.memory_space<vmem>> -> memref<1x128x128xf32, #tpu.memory_space<vmem>>
      %dma_start3A_264 = tpu.memref_squeeze %dma_start3A_263 : memref<1x128x128xf32, #tpu.memory_space<vmem>> -> memref<128x128xf32, #tpu.memory_space<vmem>>
      %dma_start3A_265 = arith.constant 0 : i32
      %dma_start3A_266 = tpu.memref_slice %arg2[%mul3A_259, %dma_start3A_265] : memref<10240x128xf32, #tpu.memory_space<hbm>> -> memref<128x128xf32, #tpu.memory_space<hbm>>
      %dma_start3A_267 = arith.constant 0 : i32
      %dma_start3A_268 = arith.constant 0 : i32
      %dma_start3A_269 = tpu.memref_slice %arg12[%dma_start3A_260, %dma_start3A_267, %dma_start3A_268] : memref<3x128x128xf32, #tpu.memory_space<vmem>> -> memref<1x128x128xf32, #tpu.memory_space<vmem>>
      %dma_start3A_270 = tpu.memref_squeeze %dma_start3A_269 : memref<1x128x128xf32, #tpu.memory_space<vmem>> -> memref<128x128xf32, #tpu.memory_space<vmem>>
      %dma_start3A_271 = arith.constant 0 : i32
      %dma_start3A_272 = tpu.memref_slice %arg2[%mul3A_259, %dma_start3A_271] : memref<10240x128xf32, #tpu.memory_space<hbm>> -> memref<128x128xf32, #tpu.memory_space<hbm>>
      tpu.enqueue_dma source(%dma_start3A_272 : memref<128x128xf32, #tpu.memory_space<hbm>>) target(%dma_start3A_270 : memref<128x128xf32, #tpu.memory_space<vmem>>) target_semaphore(%arg22 : memref<!tpu.dma_semaphore, #tpu.memory_space<semaphore_mem>>)
      %dma_start3A_273 = arith.constant 2 : i32
      %dma_start3A_274 = arith.constant 0 : i32
      %dma_start3A_275 = tpu.memref_slice %arg13[%dma_start3A_273, %dma_start3A_274] : memref<3x128xi32, #tpu.memory_space<vmem>> -> memref<1x128xi32, #tpu.memory_space<vmem>>
      %dma_start3A_276 = tpu.memref_squeeze %dma_start3A_275 : memref<1x128xi32, #tpu.memory_space<vmem>> -> memref<128xi32, #tpu.memory_space<vmem>>
      %dma_start3A_277 = tpu.memref_slice %arg3[%mul3A_259] : memref<10000xi32, #tpu.memory_space<hbm>> -> memref<128xi32, #tpu.memory_space<hbm>>
      %dma_start3A_278 = arith.constant 0 : i32
      %dma_start3A_279 = tpu.memref_slice %arg13[%dma_start3A_273, %dma_start3A_278] : memref<3x128xi32, #tpu.memory_space<vmem>> -> memref<1x128xi32, #tpu.memory_space<vmem>>
      %dma_start3A_280 = tpu.memref_squeeze %dma_start3A_279 : memref<1x128xi32, #tpu.memory_space<vmem>> -> memref<128xi32, #tpu.memory_space<vmem>>
      %dma_start3A_281 = tpu.memref_slice %arg3[%mul3A_259] : memref<10000xi32, #tpu.memory_space<hbm>> -> memref<128xi32, #tpu.memory_space<hbm>>
      tpu.enqueue_dma source(%dma_start3A_281 : memref<128xi32, #tpu.memory_space<hbm>>) target(%dma_start3A_280 : memref<128xi32, #tpu.memory_space<vmem>>) target_semaphore(%arg22 : memref<!tpu.dma_semaphore, #tpu.memory_space<semaphore_mem>>)
    } else {
    }
    %eq3A = arith.constant 14 : i32
    %eq3A_35 = arith.cmpi eq, %add3A, %eq3A : i32
    %convert_element_type3A_36 = arith.extui %eq3A_35 : i1 to i32
    %cond3A_37 = arith.constant 0 : i32
    %cond3A_38 = arith.cmpi ne, %convert_element_type3A_36, %cond3A_37 : i32
    scf.if %cond3A_38 {
      %dma_start3A_258 = arith.constant 9984 : i32
      %dma_start3A_259 = arith.constant 0 : i32
      %dma_start3A_260 = tpu.memref_slice %arg2[%dma_start3A_258, %dma_start3A_259] : memref<10240x128xf32, #tpu.memory_space<hbm>> -> memref<16x128xf32, #tpu.memory_space<hbm>>
      %dma_start3A_261 = arith.constant 9984 : i32
      %dma_start3A_262 = arith.constant 0 : i32
      %dma_start3A_263 = tpu.memref_slice %arg2[%dma_start3A_261, %dma_start3A_262] : memref<10240x128xf32, #tpu.memory_space<hbm>> -> memref<16x128xf32, #tpu.memory_space<hbm>>
      tpu.enqueue_dma source(%dma_start3A_263 : memref<16x128xf32, #tpu.memory_space<hbm>>) target(%arg15 : memref<16x128xf32, #tpu.memory_space<vmem>>) target_semaphore(%arg22 : memref<!tpu.dma_semaphore, #tpu.memory_space<semaphore_mem>>)
      %dma_start3A_264 = arith.constant 9984 : i32
      %dma_start3A_265 = tpu.memref_slice %arg3[%dma_start3A_264] : memref<10000xi32, #tpu.memory_space<hbm>> -> memref<16xi32, #tpu.memory_space<hbm>>
      %dma_start3A_266 = arith.constant 9984 : i32
      %dma_start3A_267 = tpu.memref_slice %arg3[%dma_start3A_266] : memref<10000xi32, #tpu.memory_space<hbm>> -> memref<16xi32, #tpu.memory_space<hbm>>
      tpu.enqueue_dma source(%dma_start3A_267 : memref<16xi32, #tpu.memory_space<hbm>>) target(%arg16 : memref<16xi32, #tpu.memory_space<vmem>>) target_semaphore(%arg22 : memref<!tpu.dma_semaphore, #tpu.memory_space<semaphore_mem>>)
    } else {
    }
    tpu.wait_dma2 semaphore(%arg19 : memref<!tpu.dma_semaphore, #tpu.memory_space<semaphore_mem>>) src(%arg3 : memref<10000xi32, #tpu.memory_space<hbm>>) dst(%arg9 : memref<10000xi32, #tpu.memory_space<vmem>>)
    %convert_element_type3A_39 = arith.extui %lt3A_1 : i1 to i32
    %cond3A_40 = arith.constant 0 : i32
    %cond3A_41 = arith.cmpi ne, %convert_element_type3A_39, %cond3A_40 : i32
    scf.if %cond3A_41 {
      %dma_wait3A_258 = arith.constant 0 : i32
      %dma_wait3A_259 = tpu.memref_slice %arg4[%dma_wait3A_258, %select_n3A] : memref<2x320000xi32, #tpu.memory_space<hbm>> -> memref<2x10112xi32, #tpu.memory_space<hbm>>
      %dma_wait3A_260 = arith.constant 0 : i32
      %dma_wait3A_261 = tpu.memref_slice %arg4[%dma_wait3A_260, %select_n3A] : memref<2x320000xi32, #tpu.memory_space<hbm>> -> memref<2x10112xi32, #tpu.memory_space<hbm>>
      tpu.wait_dma2 semaphore(%arg20 : memref<!tpu.dma_semaphore, #tpu.memory_space<semaphore_mem>>) src(%dma_wait3A_261 : memref<2x10112xi32, #tpu.memory_space<hbm>>) dst(%arg10 : memref<2x10112xi32, #tpu.memory_space<vmem>>)
    } else {
    }
    %not3A_42 = arith.constant true
    %not3A_43 = arith.xori %lt3A_1, %not3A_42 : i1
    %convert_element_type3A_44 = arith.extui %not3A_43 : i1 to i32
    %cond3A_45 = arith.constant 0 : i32
    %cond3A_46 = arith.cmpi ne, %convert_element_type3A_44, %cond3A_45 : i32
    scf.if %cond3A_46 {
      %dma_wait3A_258 = arith.constant 0 : i32
      %dma_wait3A_259 = arith.constant 0 : i32
      %dma_wait3A_260 = tpu.memref_slice %arg10[%dma_wait3A_258, %dma_wait3A_259] : memref<2x10112xi32, #tpu.memory_space<vmem>> -> memref<2x9984xi32, #tpu.memory_space<vmem>>
      %dma_wait3A_261 = arith.constant 0 : i32
      %dma_wait3A_262 = tpu.memref_slice %arg4[%dma_wait3A_261, %select_n3A] : memref<2x320000xi32, #tpu.memory_space<hbm>> -> memref<2x9984xi32, #tpu.memory_space<hbm>>
      %dma_wait3A_263 = arith.constant 0 : i32
      %dma_wait3A_264 = arith.constant 0 : i32
      %dma_wait3A_265 = tpu.memref_slice %arg10[%dma_wait3A_263, %dma_wait3A_264] : memref<2x10112xi32, #tpu.memory_space<vmem>> -> memref<2x9984xi32, #tpu.memory_space<vmem>>
      %dma_wait3A_266 = arith.constant 0 : i32
      %dma_wait3A_267 = tpu.memref_slice %arg4[%dma_wait3A_266, %select_n3A] : memref<2x320000xi32, #tpu.memory_space<hbm>> -> memref<2x9984xi32, #tpu.memory_space<hbm>>
      tpu.wait_dma2 semaphore(%arg20 : memref<!tpu.dma_semaphore, #tpu.memory_space<semaphore_mem>>) src(%dma_wait3A_267 : memref<2x9984xi32, #tpu.memory_space<hbm>>) dst(%dma_wait3A_265 : memref<2x9984xi32, #tpu.memory_space<vmem>>)
    } else {
    }
    %scan3A = arith.constant 0 : i32
    %scan3A_47 = arith.constant 0 : i32
    %scan3A_48 = arith.constant 156 : i32
    %scan3A_49 = arith.addi %scan3A_47, %scan3A_48 : i32
    %scan3A_50 = arith.constant 1 : i32
    scf.for %scan3A_258 = %scan3A_47 to %scan3A_49 step %scan3A_50  : i32 {
      %mul3A_259 = arith.constant 64 : i32
      %mul3A_260 = arith.muli %scan3A_258, %mul3A_259 : i32
      %add3A_261 = arith.constant 0 : i32
      %add3A_262 = arith.addi %mul3A_260, %add3A_261 : i32
      %get3A = arith.constant 0 : i32
      %get3A_263 = arith.index_cast %get3A : i32 to index
      %get3A_264 = arith.index_cast %add3A_262 : i32 to index
      %get3A_265 = tpu.vector_load %arg10[%get3A_263, %get3A_264] {strides = array<i32>} : memref<2x10112xi32, #tpu.memory_space<vmem>>, vector<16xi32>,
      %gather3A = tpu.vector_load_idx %arg9[%get3A_265] : memref<10000xi32, #tpu.memory_space<vmem>>[vector<16xi32>], vector<16xi32>,
      %add3A_266 = arith.constant 0 : i32
      %add3A_267 = arith.addi %mul3A_260, %add3A_266 : i32
      %swap3A_268 = arith.constant 0 : i32
      %swap3A_269 = arith.index_cast %swap3A_268 : i32 to index
      %swap3A_270 = arith.index_cast %add3A_267 : i32 to index
      %swap3A_271 = tpu.vector_load %arg11[%swap3A_269, %swap3A_270] {strides = array<i32>} : memref<2x10112xi32, #tpu.memory_space<vmem>>, vector<16xi32>,
      tpu.vector_store %arg11[%swap3A_269, %swap3A_270], %gather3A {strides = array<i32>} : memref<2x10112xi32, #tpu.memory_space<vmem>>, vector<16xi32>,
      %add3A_272 = arith.constant 16 : i32
      %add3A_273 = arith.addi %mul3A_260, %add3A_272 : i32
      %get3A_274 = arith.constant 0 : i32
      %get3A_275 = arith.index_cast %get3A_274 : i32 to index
      %get3A_276 = arith.index_cast %add3A_273 : i32 to index
      %get3A_277 = tpu.vector_load %arg10[%get3A_275, %get3A_276] {strides = array<i32>} : memref<2x10112xi32, #tpu.memory_space<vmem>>, vector<16xi32>,
      %gather3A_278 = tpu.vector_load_idx %arg9[%get3A_277] : memref<10000xi32, #tpu.memory_space<vmem>>[vector<16xi32>], vector<16xi32>,
      %add3A_279 = arith.constant 16 : i32
      %add3A_280 = arith.addi %mul3A_260, %add3A_279 : i32
      %swap3A_281 = arith.constant 0 : i32
      %swap3A_282 = arith.index_cast %swap3A_281 : i32 to index
      %swap3A_283 = arith.index_cast %add3A_280 : i32 to index
      %swap3A_284 = tpu.vector_load %arg11[%swap3A_282, %swap3A_283] {strides = array<i32>} : memref<2x10112xi32, #tpu.memory_space<vmem>>, vector<16xi32>,
      tpu.vector_store %arg11[%swap3A_282, %swap3A_283], %gather3A_278 {strides = array<i32>} : memref<2x10112xi32, #tpu.memory_space<vmem>>, vector<16xi32>,
      %add3A_285 = arith.constant 32 : i32
      %add3A_286 = arith.addi %mul3A_260, %add3A_285 : i32
      %get3A_287 = arith.constant 0 : i32
      %get3A_288 = arith.index_cast %get3A_287 : i32 to index
      %get3A_289 = arith.index_cast %add3A_286 : i32 to index
      %get3A_290 = tpu.vector_load %arg10[%get3A_288, %get3A_289] {strides = array<i32>} : memref<2x10112xi32, #tpu.memory_space<vmem>>, vector<16xi32>,
      %gather3A_291 = tpu.vector_load_idx %arg9[%get3A_290] : memref<10000xi32, #tpu.memory_space<vmem>>[vector<16xi32>], vector<16xi32>,
      %add3A_292 = arith.constant 32 : i32
      %add3A_293 = arith.addi %mul3A_260, %add3A_292 : i32
      %swap3A_294 = arith.constant 0 : i32
      %swap3A_295 = arith.index_cast %swap3A_294 : i32 to index
      %swap3A_296 = arith.index_cast %add3A_293 : i32 to index
      %swap3A_297 = tpu.vector_load %arg11[%swap3A_295, %swap3A_296] {strides = array<i32>} : memref<2x10112xi32, #tpu.memory_space<vmem>>, vector<16xi32>,
      tpu.vector_store %arg11[%swap3A_295, %swap3A_296], %gather3A_291 {strides = array<i32>} : memref<2x10112xi32, #tpu.memory_space<vmem>>, vector<16xi32>,
      %add3A_298 = arith.constant 48 : i32
      %add3A_299 = arith.addi %mul3A_260, %add3A_298 : i32
      %get3A_300 = arith.constant 0 : i32
      %get3A_301 = arith.index_cast %get3A_300 : i32 to index
      %get3A_302 = arith.index_cast %add3A_299 : i32 to index
      %get3A_303 = tpu.vector_load %arg10[%get3A_301, %get3A_302] {strides = array<i32>} : memref<2x10112xi32, #tpu.memory_space<vmem>>, vector<16xi32>,
      %gather3A_304 = tpu.vector_load_idx %arg9[%get3A_303] : memref<10000xi32, #tpu.memory_space<vmem>>[vector<16xi32>], vector<16xi32>,
      %add3A_305 = arith.constant 48 : i32
      %add3A_306 = arith.addi %mul3A_260, %add3A_305 : i32
      %swap3A_307 = arith.constant 0 : i32
      %swap3A_308 = arith.index_cast %swap3A_307 : i32 to index
      %swap3A_309 = arith.index_cast %add3A_306 : i32 to index
      %swap3A_310 = tpu.vector_load %arg11[%swap3A_308, %swap3A_309] {strides = array<i32>} : memref<2x10112xi32, #tpu.memory_space<vmem>>, vector<16xi32>,
      tpu.vector_store %arg11[%swap3A_308, %swap3A_309], %gather3A_304 {strides = array<i32>} : memref<2x10112xi32, #tpu.memory_space<vmem>>, vector<16xi32>,
    }
    %scan3A_51 = arith.constant 156 : i32
    %convert_element_type3A_52 = arith.extui %lt3A_1 : i1 to i32
    %cond3A_53 = arith.constant 0 : i32
    %cond3A_54 = arith.cmpi ne, %convert_element_type3A_52, %cond3A_53 : i32
    scf.if %cond3A_54 {
      %scan3A_258 = arith.constant 0 : i32
      %scan3A_259 = arith.constant 0 : i32
      %scan3A_260 = arith.constant 2 : i32
      %scan3A_261 = arith.addi %scan3A_259, %scan3A_260 : i32
      %scan3A_262 = arith.constant 1 : i32
      scf.for %scan3A_264 = %scan3A_259 to %scan3A_261 step %scan3A_262  : i32 {
        %mul3A_265 = arith.constant 64 : i32
        %mul3A_266 = arith.muli %scan3A_264, %mul3A_265 : i32
        %add3A_267 = arith.constant 9984 : i32
        %add3A_268 = arith.addi %add3A_267, %mul3A_266 : i32
        %add3A_269 = arith.constant 0 : i32
        %add3A_270 = arith.addi %add3A_268, %add3A_269 : i32
        %get3A = arith.constant 0 : i32
        %get3A_271 = arith.index_cast %get3A : i32 to index
        %get3A_272 = arith.index_cast %add3A_270 : i32 to index
        %get3A_273 = tpu.vector_load %arg10[%get3A_271, %get3A_272] {strides = array<i32>} : memref<2x10112xi32, #tpu.memory_space<vmem>>, vector<16xi32>,
        %gather3A = tpu.vector_load_idx %arg9[%get3A_273] : memref<10000xi32, #tpu.memory_space<vmem>>[vector<16xi32>], vector<16xi32>,
        %add3A_274 = arith.constant 0 : i32
        %add3A_275 = arith.addi %add3A_268, %add3A_274 : i32
        %swap3A_276 = arith.constant 0 : i32
        %swap3A_277 = arith.index_cast %swap3A_276 : i32 to index
        %swap3A_278 = arith.index_cast %add3A_275 : i32 to index
        %swap3A_279 = tpu.vector_load %arg11[%swap3A_277, %swap3A_278] {strides = array<i32>} : memref<2x10112xi32, #tpu.memory_space<vmem>>, vector<16xi32>,
        tpu.vector_store %arg11[%swap3A_277, %swap3A_278], %gather3A {strides = array<i32>} : memref<2x10112xi32, #tpu.memory_space<vmem>>, vector<16xi32>,
        %add3A_280 = arith.constant 16 : i32
        %add3A_281 = arith.addi %add3A_268, %add3A_280 : i32
        %get3A_282 = arith.constant 0 : i32
        %get3A_283 = arith.index_cast %get3A_282 : i32 to index
        %get3A_284 = arith.index_cast %add3A_281 : i32 to index
        %get3A_285 = tpu.vector_load %arg10[%get3A_283, %get3A_284] {strides = array<i32>} : memref<2x10112xi32, #tpu.memory_space<vmem>>, vector<16xi32>,
        %gather3A_286 = tpu.vector_load_idx %arg9[%get3A_285] : memref<10000xi32, #tpu.memory_space<vmem>>[vector<16xi32>], vector<16xi32>,
        %add3A_287 = arith.constant 16 : i32
        %add3A_288 = arith.addi %add3A_268, %add3A_287 : i32
        %swap3A_289 = arith.constant 0 : i32
        %swap3A_290 = arith.index_cast %swap3A_289 : i32 to index
        %swap3A_291 = arith.index_cast %add3A_288 : i32 to index
        %swap3A_292 = tpu.vector_load %arg11[%swap3A_290, %swap3A_291] {strides = array<i32>} : memref<2x10112xi32, #tpu.memory_space<vmem>>, vector<16xi32>,
        tpu.vector_store %arg11[%swap3A_290, %swap3A_291], %gather3A_286 {strides = array<i32>} : memref<2x10112xi32, #tpu.memory_space<vmem>>, vector<16xi32>,
        %add3A_293 = arith.constant 32 : i32
        %add3A_294 = arith.addi %add3A_268, %add3A_293 : i32
        %get3A_295 = arith.constant 0 : i32
        %get3A_296 = arith.index_cast %get3A_295 : i32 to index
        %get3A_297 = arith.index_cast %add3A_294 : i32 to index
        %get3A_298 = tpu.vector_load %arg10[%get3A_296, %get3A_297] {strides = array<i32>} : memref<2x10112xi32, #tpu.memory_space<vmem>>, vector<16xi32>,
        %gather3A_299 = tpu.vector_load_idx %arg9[%get3A_298] : memref<10000xi32, #tpu.memory_space<vmem>>[vector<16xi32>], vector<16xi32>,
        %add3A_300 = arith.constant 32 : i32
        %add3A_301 = arith.addi %add3A_268, %add3A_300 : i32
        %swap3A_302 = arith.constant 0 : i32
        %swap3A_303 = arith.index_cast %swap3A_302 : i32 to index
        %swap3A_304 = arith.index_cast %add3A_301 : i32 to index
        %swap3A_305 = tpu.vector_load %arg11[%swap3A_303, %swap3A_304] {strides = array<i32>} : memref<2x10112xi32, #tpu.memory_space<vmem>>, vector<16xi32>,
        tpu.vector_store %arg11[%swap3A_303, %swap3A_304], %gather3A_299 {strides = array<i32>} : memref<2x10112xi32, #tpu.memory_space<vmem>>, vector<16xi32>,
        %add3A_306 = arith.constant 48 : i32
        %add3A_307 = arith.addi %add3A_268, %add3A_306 : i32
        %get3A_308 = arith.constant 0 : i32
        %get3A_309 = arith.index_cast %get3A_308 : i32 to index
        %get3A_310 = arith.index_cast %add3A_307 : i32 to index
        %get3A_311 = tpu.vector_load %arg10[%get3A_309, %get3A_310] {strides = array<i32>} : memref<2x10112xi32, #tpu.memory_space<vmem>>, vector<16xi32>,
        %gather3A_312 = tpu.vector_load_idx %arg9[%get3A_311] : memref<10000xi32, #tpu.memory_space<vmem>>[vector<16xi32>], vector<16xi32>,
        %add3A_313 = arith.constant 48 : i32
        %add3A_314 = arith.addi %add3A_268, %add3A_313 : i32
        %swap3A_315 = arith.constant 0 : i32
        %swap3A_316 = arith.index_cast %swap3A_315 : i32 to index
        %swap3A_317 = arith.index_cast %add3A_314 : i32 to index
        %swap3A_318 = tpu.vector_load %arg11[%swap3A_316, %swap3A_317] {strides = array<i32>} : memref<2x10112xi32, #tpu.memory_space<vmem>>, vector<16xi32>,
        tpu.vector_store %arg11[%swap3A_316, %swap3A_317], %gather3A_312 {strides = array<i32>} : memref<2x10112xi32, #tpu.memory_space<vmem>>, vector<16xi32>,
      }
      %scan3A_263 = arith.constant 2 : i32
    } else {
    }
    %scan3A_55 = arith.constant 0 : i32
    %scan3A_56 = arith.constant 0 : i32
    %scan3A_57 = arith.constant 156 : i32
    %scan3A_58 = arith.addi %scan3A_56, %scan3A_57 : i32
    %scan3A_59 = arith.constant 1 : i32
    scf.for %scan3A_258 = %scan3A_56 to %scan3A_58 step %scan3A_59  : i32 {
      %mul3A_259 = arith.constant 64 : i32
      %mul3A_260 = arith.muli %scan3A_258, %mul3A_259 : i32
      %add3A_261 = arith.constant 0 : i32
      %add3A_262 = arith.addi %mul3A_260, %add3A_261 : i32
      %get3A = arith.constant 1 : i32
      %get3A_263 = arith.index_cast %get3A : i32 to index
      %get3A_264 = arith.index_cast %add3A_262 : i32 to index
      %get3A_265 = tpu.vector_load %arg10[%get3A_263, %get3A_264] {strides = array<i32>} : memref<2x10112xi32, #tpu.memory_space<vmem>>, vector<16xi32>,
      %gather3A = tpu.vector_load_idx %arg9[%get3A_265] : memref<10000xi32, #tpu.memory_space<vmem>>[vector<16xi32>], vector<16xi32>,
      %add3A_266 = arith.constant 0 : i32
      %add3A_267 = arith.addi %mul3A_260, %add3A_266 : i32
      %swap3A_268 = arith.constant 1 : i32
      %swap3A_269 = arith.index_cast %swap3A_268 : i32 to index
      %swap3A_270 = arith.index_cast %add3A_267 : i32 to index
      %swap3A_271 = tpu.vector_load %arg11[%swap3A_269, %swap3A_270] {strides = array<i32>} : memref<2x10112xi32, #tpu.memory_space<vmem>>, vector<16xi32>,
      tpu.vector_store %arg11[%swap3A_269, %swap3A_270], %gather3A {strides = array<i32>} : memref<2x10112xi32, #tpu.memory_space<vmem>>, vector<16xi32>,
      %add3A_272 = arith.constant 16 : i32
      %add3A_273 = arith.addi %mul3A_260, %add3A_272 : i32
      %get3A_274 = arith.constant 1 : i32
      %get3A_275 = arith.index_cast %get3A_274 : i32 to index
      %get3A_276 = arith.index_cast %add3A_273 : i32 to index
      %get3A_277 = tpu.vector_load %arg10[%get3A_275, %get3A_276] {strides = array<i32>} : memref<2x10112xi32, #tpu.memory_space<vmem>>, vector<16xi32>,
      %gather3A_278 = tpu.vector_load_idx %arg9[%get3A_277] : memref<10000xi32, #tpu.memory_space<vmem>>[vector<16xi32>], vector<16xi32>,
      %add3A_279 = arith.constant 16 : i32
      %add3A_280 = arith.addi %mul3A_260, %add3A_279 : i32
      %swap3A_281 = arith.constant 1 : i32
      %swap3A_282 = arith.index_cast %swap3A_281 : i32 to index
      %swap3A_283 = arith.index_cast %add3A_280 : i32 to index
      %swap3A_284 = tpu.vector_load %arg11[%swap3A_282, %swap3A_283] {strides = array<i32>} : memref<2x10112xi32, #tpu.memory_space<vmem>>, vector<16xi32>,
      tpu.vector_store %arg11[%swap3A_282, %swap3A_283], %gather3A_278 {strides = array<i32>} : memref<2x10112xi32, #tpu.memory_space<vmem>>, vector<16xi32>,
      %add3A_285 = arith.constant 32 : i32
      %add3A_286 = arith.addi %mul3A_260, %add3A_285 : i32
      %get3A_287 = arith.constant 1 : i32
      %get3A_288 = arith.index_cast %get3A_287 : i32 to index
      %get3A_289 = arith.index_cast %add3A_286 : i32 to index
      %get3A_290 = tpu.vector_load %arg10[%get3A_288, %get3A_289] {strides = array<i32>} : memref<2x10112xi32, #tpu.memory_space<vmem>>, vector<16xi32>,
      %gather3A_291 = tpu.vector_load_idx %arg9[%get3A_290] : memref<10000xi32, #tpu.memory_space<vmem>>[vector<16xi32>], vector<16xi32>,
      %add3A_292 = arith.constant 32 : i32
      %add3A_293 = arith.addi %mul3A_260, %add3A_292 : i32
      %swap3A_294 = arith.constant 1 : i32
      %swap3A_295 = arith.index_cast %swap3A_294 : i32 to index
      %swap3A_296 = arith.index_cast %add3A_293 : i32 to index
      %swap3A_297 = tpu.vector_load %arg11[%swap3A_295, %swap3A_296] {strides = array<i32>} : memref<2x10112xi32, #tpu.memory_space<vmem>>, vector<16xi32>,
      tpu.vector_store %arg11[%swap3A_295, %swap3A_296], %gather3A_291 {strides = array<i32>} : memref<2x10112xi32, #tpu.memory_space<vmem>>, vector<16xi32>,
      %add3A_298 = arith.constant 48 : i32
      %add3A_299 = arith.addi %mul3A_260, %add3A_298 : i32
      %get3A_300 = arith.constant 1 : i32
      %get3A_301 = arith.index_cast %get3A_300 : i32 to index
      %get3A_302 = arith.index_cast %add3A_299 : i32 to index
      %get3A_303 = tpu.vector_load %arg10[%get3A_301, %get3A_302] {strides = array<i32>} : memref<2x10112xi32, #tpu.memory_space<vmem>>, vector<16xi32>,
      %gather3A_304 = tpu.vector_load_idx %arg9[%get3A_303] : memref<10000xi32, #tpu.memory_space<vmem>>[vector<16xi32>], vector<16xi32>,
      %add3A_305 = arith.constant 48 : i32
      %add3A_306 = arith.addi %mul3A_260, %add3A_305 : i32
      %swap3A_307 = arith.constant 1 : i32
      %swap3A_308 = arith.index_cast %swap3A_307 : i32 to index
      %swap3A_309 = arith.index_cast %add3A_306 : i32 to index
      %swap3A_310 = tpu.vector_load %arg11[%swap3A_308, %swap3A_309] {strides = array<i32>} : memref<2x10112xi32, #tpu.memory_space<vmem>>, vector<16xi32>,
      tpu.vector_store %arg11[%swap3A_308, %swap3A_309], %gather3A_304 {strides = array<i32>} : memref<2x10112xi32, #tpu.memory_space<vmem>>, vector<16xi32>,
    }
    %scan3A_60 = arith.constant 156 : i32
    %convert_element_type3A_61 = arith.extui %lt3A_1 : i1 to i32
    %cond3A_62 = arith.constant 0 : i32
    %cond3A_63 = arith.cmpi ne, %convert_element_type3A_61, %cond3A_62 : i32
    scf.if %cond3A_63 {
      %scan3A_258 = arith.constant 0 : i32
      %scan3A_259 = arith.constant 0 : i32
      %scan3A_260 = arith.constant 2 : i32
      %scan3A_261 = arith.addi %scan3A_259, %scan3A_260 : i32
      %scan3A_262 = arith.constant 1 : i32
      scf.for %scan3A_264 = %scan3A_259 to %scan3A_261 step %scan3A_262  : i32 {
        %mul3A_265 = arith.constant 64 : i32
        %mul3A_266 = arith.muli %scan3A_264, %mul3A_265 : i32
        %add3A_267 = arith.constant 9984 : i32
        %add3A_268 = arith.addi %add3A_267, %mul3A_266 : i32
        %add3A_269 = arith.constant 0 : i32
        %add3A_270 = arith.addi %add3A_268, %add3A_269 : i32
        %get3A = arith.constant 1 : i32
        %get3A_271 = arith.index_cast %get3A : i32 to index
        %get3A_272 = arith.index_cast %add3A_270 : i32 to index
        %get3A_273 = tpu.vector_load %arg10[%get3A_271, %get3A_272] {strides = array<i32>} : memref<2x10112xi32, #tpu.memory_space<vmem>>, vector<16xi32>,
        %gather3A = tpu.vector_load_idx %arg9[%get3A_273] : memref<10000xi32, #tpu.memory_space<vmem>>[vector<16xi32>], vector<16xi32>,
        %add3A_274 = arith.constant 0 : i32
        %add3A_275 = arith.addi %add3A_268, %add3A_274 : i32
        %swap3A_276 = arith.constant 1 : i32
        %swap3A_277 = arith.index_cast %swap3A_276 : i32 to index
        %swap3A_278 = arith.index_cast %add3A_275 : i32 to index
        %swap3A_279 = tpu.vector_load %arg11[%swap3A_277, %swap3A_278] {strides = array<i32>} : memref<2x10112xi32, #tpu.memory_space<vmem>>, vector<16xi32>,
        tpu.vector_store %arg11[%swap3A_277, %swap3A_278], %gather3A {strides = array<i32>} : memref<2x10112xi32, #tpu.memory_space<vmem>>, vector<16xi32>,
        %add3A_280 = arith.constant 16 : i32
        %add3A_281 = arith.addi %add3A_268, %add3A_280 : i32
        %get3A_282 = arith.constant 1 : i32
        %get3A_283 = arith.index_cast %get3A_282 : i32 to index
        %get3A_284 = arith.index_cast %add3A_281 : i32 to index
        %get3A_285 = tpu.vector_load %arg10[%get3A_283, %get3A_284] {strides = array<i32>} : memref<2x10112xi32, #tpu.memory_space<vmem>>, vector<16xi32>,
        %gather3A_286 = tpu.vector_load_idx %arg9[%get3A_285] : memref<10000xi32, #tpu.memory_space<vmem>>[vector<16xi32>], vector<16xi32>,
        %add3A_287 = arith.constant 16 : i32
        %add3A_288 = arith.addi %add3A_268, %add3A_287 : i32
        %swap3A_289 = arith.constant 1 : i32
        %swap3A_290 = arith.index_cast %swap3A_289 : i32 to index
        %swap3A_291 = arith.index_cast %add3A_288 : i32 to index
        %swap3A_292 = tpu.vector_load %arg11[%swap3A_290, %swap3A_291] {strides = array<i32>} : memref<2x10112xi32, #tpu.memory_space<vmem>>, vector<16xi32>,
        tpu.vector_store %arg11[%swap3A_290, %swap3A_291], %gather3A_286 {strides = array<i32>} : memref<2x10112xi32, #tpu.memory_space<vmem>>, vector<16xi32>,
        %add3A_293 = arith.constant 32 : i32
        %add3A_294 = arith.addi %add3A_268, %add3A_293 : i32
        %get3A_295 = arith.constant 1 : i32
        %get3A_296 = arith.index_cast %get3A_295 : i32 to index
        %get3A_297 = arith.index_cast %add3A_294 : i32 to index
        %get3A_298 = tpu.vector_load %arg10[%get3A_296, %get3A_297] {strides = array<i32>} : memref<2x10112xi32, #tpu.memory_space<vmem>>, vector<16xi32>,
        %gather3A_299 = tpu.vector_load_idx %arg9[%get3A_298] : memref<10000xi32, #tpu.memory_space<vmem>>[vector<16xi32>], vector<16xi32>,
        %add3A_300 = arith.constant 32 : i32
        %add3A_301 = arith.addi %add3A_268, %add3A_300 : i32
        %swap3A_302 = arith.constant 1 : i32
        %swap3A_303 = arith.index_cast %swap3A_302 : i32 to index
        %swap3A_304 = arith.index_cast %add3A_301 : i32 to index
        %swap3A_305 = tpu.vector_load %arg11[%swap3A_303, %swap3A_304] {strides = array<i32>} : memref<2x10112xi32, #tpu.memory_space<vmem>>, vector<16xi32>,
        tpu.vector_store %arg11[%swap3A_303, %swap3A_304], %gather3A_299 {strides = array<i32>} : memref<2x10112xi32, #tpu.memory_space<vmem>>, vector<16xi32>,
        %add3A_306 = arith.constant 48 : i32
        %add3A_307 = arith.addi %add3A_268, %add3A_306 : i32
        %get3A_308 = arith.constant 1 : i32
        %get3A_309 = arith.index_cast %get3A_308 : i32 to index
        %get3A_310 = arith.index_cast %add3A_307 : i32 to index
        %get3A_311 = tpu.vector_load %arg10[%get3A_309, %get3A_310] {strides = array<i32>} : memref<2x10112xi32, #tpu.memory_space<vmem>>, vector<16xi32>,
        %gather3A_312 = tpu.vector_load_idx %arg9[%get3A_311] : memref<10000xi32, #tpu.memory_space<vmem>>[vector<16xi32>], vector<16xi32>,
        %add3A_313 = arith.constant 48 : i32
        %add3A_314 = arith.addi %add3A_268, %add3A_313 : i32
        %swap3A_315 = arith.constant 1 : i32
        %swap3A_316 = arith.index_cast %swap3A_315 : i32 to index
        %swap3A_317 = arith.index_cast %add3A_314 : i32 to index
        %swap3A_318 = tpu.vector_load %arg11[%swap3A_316, %swap3A_317] {strides = array<i32>} : memref<2x10112xi32, #tpu.memory_space<vmem>>, vector<16xi32>,
        tpu.vector_store %arg11[%swap3A_316, %swap3A_317], %gather3A_312 {strides = array<i32>} : memref<2x10112xi32, #tpu.memory_space<vmem>>, vector<16xi32>,
      }
      %scan3A_263 = arith.constant 2 : i32
    } else {
    }
    %convert_element_type3A_64 = arith.extui %lt3A_1 : i1 to i32
    %cond3A_65 = arith.constant 0 : i32
    %cond3A_66 = arith.cmpi ne, %convert_element_type3A_64, %cond3A_65 : i32
    scf.if %cond3A_66 {
      %dma_start3A_258 = arith.constant 0 : i32
      %dma_start3A_259 = tpu.memref_slice %arg6[%dma_start3A_258, %select_n3A] : memref<2x320000xi32, #tpu.memory_space<hbm>> -> memref<2x10112xi32, #tpu.memory_space<hbm>>
      %dma_start3A_260 = arith.constant 0 : i32
      %dma_start3A_261 = tpu.memref_slice %arg6[%dma_start3A_260, %select_n3A] : memref<2x320000xi32, #tpu.memory_space<hbm>> -> memref<2x10112xi32, #tpu.memory_space<hbm>>
      tpu.enqueue_dma source(%arg11 : memref<2x10112xi32, #tpu.memory_space<vmem>>) target(%dma_start3A_261 : memref<2x10112xi32, #tpu.memory_space<hbm>>) target_semaphore(%arg21 : memref<!tpu.dma_semaphore, #tpu.memory_space<semaphore_mem>>)
    } else {
    }
    %not3A_67 = arith.constant true
    %not3A_68 = arith.xori %lt3A_1, %not3A_67 : i1
    %convert_element_type3A_69 = arith.extui %not3A_68 : i1 to i32
    %cond3A_70 = arith.constant 0 : i32
    %cond3A_71 = arith.cmpi ne, %convert_element_type3A_69, %cond3A_70 : i32
    scf.if %cond3A_71 {
      %dma_start3A_258 = arith.constant 0 : i32
      %dma_start3A_259 = arith.constant 0 : i32
      %dma_start3A_260 = tpu.memref_slice %arg11[%dma_start3A_258, %dma_start3A_259] : memref<2x10112xi32, #tpu.memory_space<vmem>> -> memref<2x9984xi32, #tpu.memory_space<vmem>>
      %dma_start3A_261 = arith.constant 0 : i32
      %dma_start3A_262 = tpu.memref_slice %arg6[%dma_start3A_261, %select_n3A] : memref<2x320000xi32, #tpu.memory_space<hbm>> -> memref<2x9984xi32, #tpu.memory_space<hbm>>
      %dma_start3A_263 = arith.constant 0 : i32
      %dma_start3A_264 = tpu.memref_slice %arg6[%dma_start3A_263, %select_n3A] : memref<2x320000xi32, #tpu.memory_space<hbm>> -> memref<2x9984xi32, #tpu.memory_space<hbm>>
      %dma_start3A_265 = arith.constant 0 : i32
      %dma_start3A_266 = arith.constant 0 : i32
      %dma_start3A_267 = tpu.memref_slice %arg11[%dma_start3A_265, %dma_start3A_266] : memref<2x10112xi32, #tpu.memory_space<vmem>> -> memref<2x9984xi32, #tpu.memory_space<vmem>>
      tpu.enqueue_dma source(%dma_start3A_267 : memref<2x9984xi32, #tpu.memory_space<vmem>>) target(%dma_start3A_264 : memref<2x9984xi32, #tpu.memory_space<hbm>>) target_semaphore(%arg21 : memref<!tpu.dma_semaphore, #tpu.memory_space<semaphore_mem>>)
    } else {
    }
    %add3A_72 = arith.constant 0 : i32
    %add3A_73 = arith.addi %add3A, %add3A_72 : i32
    %lt3A_74 = arith.constant 78 : i32
    %lt3A_75 = arith.cmpi slt, %add3A_73, %lt3A_74 : i32
    %convert_element_type3A_76 = arith.extui %lt3A_75 : i1 to i32
    %cond3A_77 = arith.constant 0 : i32
    %cond3A_78 = arith.cmpi ne, %convert_element_type3A_76, %cond3A_77 : i32
    scf.if %cond3A_78 {
      %mul3A_258 = arith.constant 128 : i32
      %mul3A_259 = arith.muli %add3A_73, %mul3A_258 : i32
      %dma_wait3A_260 = arith.constant 0 : i32
      %dma_wait3A_261 = arith.constant 0 : i32
      %dma_wait3A_262 = arith.constant 0 : i32
      %dma_wait3A_263 = tpu.memref_slice %arg12[%dma_wait3A_260, %dma_wait3A_261, %dma_wait3A_262] : memref<3x128x128xf32, #tpu.memory_space<vmem>> -> memref<1x128x128xf32, #tpu.memory_space<vmem>>
      %dma_wait3A_264 = tpu.memref_squeeze %dma_wait3A_263 : memref<1x128x128xf32, #tpu.memory_space<vmem>> -> memref<128x128xf32, #tpu.memory_space<vmem>>
      %dma_wait3A_265 = arith.constant 0 : i32
      %dma_wait3A_266 = tpu.memref_slice %arg2[%mul3A_259, %dma_wait3A_265] : memref<10240x128xf32, #tpu.memory_space<hbm>> -> memref<128x128xf32, #tpu.memory_space<hbm>>
      %dma_wait3A_267 = arith.constant 0 : i32
      %dma_wait3A_268 = arith.constant 0 : i32
      %dma_wait3A_269 = tpu.memref_slice %arg12[%dma_wait3A_260, %dma_wait3A_267, %dma_wait3A_268] : memref<3x128x128xf32, #tpu.memory_space<vmem>> -> memref<1x128x128xf32, #tpu.memory_space<vmem>>
      %dma_wait3A_270 = tpu.memref_squeeze %dma_wait3A_269 : memref<1x128x128xf32, #tpu.memory_space<vmem>> -> memref<128x128xf32, #tpu.memory_space<vmem>>
      %dma_wait3A_271 = arith.constant 0 : i32
      %dma_wait3A_272 = tpu.memref_slice %arg2[%mul3A_259, %dma_wait3A_271] : memref<10240x128xf32, #tpu.memory_space<hbm>> -> memref<128x128xf32, #tpu.memory_space<hbm>>
      tpu.wait_dma2 semaphore(%arg22 : memref<!tpu.dma_semaphore, #tpu.memory_space<semaphore_mem>>) src(%dma_wait3A_272 : memref<128x128xf32, #tpu.memory_space<hbm>>) dst(%dma_wait3A_270 : memref<128x128xf32, #tpu.memory_space<vmem>>)
      %dma_wait3A_273 = arith.constant 0 : i32
      %dma_wait3A_274 = arith.constant 0 : i32
      %dma_wait3A_275 = tpu.memref_slice %arg13[%dma_wait3A_273, %dma_wait3A_274] : memref<3x128xi32, #tpu.memory_space<vmem>> -> memref<1x128xi32, #tpu.memory_space<vmem>>
      %dma_wait3A_276 = tpu.memref_squeeze %dma_wait3A_275 : memref<1x128xi32, #tpu.memory_space<vmem>> -> memref<128xi32, #tpu.memory_space<vmem>>
      %dma_wait3A_277 = tpu.memref_slice %arg3[%mul3A_259] : memref<10000xi32, #tpu.memory_space<hbm>> -> memref<128xi32, #tpu.memory_space<hbm>>
      %dma_wait3A_278 = arith.constant 0 : i32
      %dma_wait3A_279 = tpu.memref_slice %arg13[%dma_wait3A_273, %dma_wait3A_278] : memref<3x128xi32, #tpu.memory_space<vmem>> -> memref<1x128xi32, #tpu.memory_space<vmem>>
      %dma_wait3A_280 = tpu.memref_squeeze %dma_wait3A_279 : memref<1x128xi32, #tpu.memory_space<vmem>> -> memref<128xi32, #tpu.memory_space<vmem>>
      %dma_wait3A_281 = tpu.memref_slice %arg3[%mul3A_259] : memref<10000xi32, #tpu.memory_space<hbm>> -> memref<128xi32, #tpu.memory_space<hbm>>
      tpu.wait_dma2 semaphore(%arg22 : memref<!tpu.dma_semaphore, #tpu.memory_space<semaphore_mem>>) src(%dma_wait3A_281 : memref<128xi32, #tpu.memory_space<hbm>>) dst(%dma_wait3A_280 : memref<128xi32, #tpu.memory_space<vmem>>)
    } else {
    }
    %add3A_79 = arith.constant 32 : i32
    %add3A_80 = arith.addi %add3A, %add3A_79 : i32
    %lt3A_81 = arith.constant 78 : i32
    %lt3A_82 = arith.cmpi slt, %add3A_80, %lt3A_81 : i32
    %convert_element_type3A_83 = arith.extui %lt3A_82 : i1 to i32
    %cond3A_84 = arith.constant 0 : i32
    %cond3A_85 = arith.cmpi ne, %convert_element_type3A_83, %cond3A_84 : i32
    scf.if %cond3A_85 {
      %mul3A_258 = arith.constant 128 : i32
      %mul3A_259 = arith.muli %add3A_80, %mul3A_258 : i32
      %dma_wait3A_260 = arith.constant 1 : i32
      %dma_wait3A_261 = arith.constant 0 : i32
      %dma_wait3A_262 = arith.constant 0 : i32
      %dma_wait3A_263 = tpu.memref_slice %arg12[%dma_wait3A_260, %dma_wait3A_261, %dma_wait3A_262] : memref<3x128x128xf32, #tpu.memory_space<vmem>> -> memref<1x128x128xf32, #tpu.memory_space<vmem>>
      %dma_wait3A_264 = tpu.memref_squeeze %dma_wait3A_263 : memref<1x128x128xf32, #tpu.memory_space<vmem>> -> memref<128x128xf32, #tpu.memory_space<vmem>>
      %dma_wait3A_265 = arith.constant 0 : i32
      %dma_wait3A_266 = tpu.memref_slice %arg2[%mul3A_259, %dma_wait3A_265] : memref<10240x128xf32, #tpu.memory_space<hbm>> -> memref<128x128xf32, #tpu.memory_space<hbm>>
      %dma_wait3A_267 = arith.constant 0 : i32
      %dma_wait3A_268 = arith.constant 0 : i32
      %dma_wait3A_269 = tpu.memref_slice %arg12[%dma_wait3A_260, %dma_wait3A_267, %dma_wait3A_268] : memref<3x128x128xf32, #tpu.memory_space<vmem>> -> memref<1x128x128xf32, #tpu.memory_space<vmem>>
      %dma_wait3A_270 = tpu.memref_squeeze %dma_wait3A_269 : memref<1x128x128xf32, #tpu.memory_space<vmem>> -> memref<128x128xf32, #tpu.memory_space<vmem>>
      %dma_wait3A_271 = arith.constant 0 : i32
      %dma_wait3A_272 = tpu.memref_slice %arg2[%mul3A_259, %dma_wait3A_271] : memref<10240x128xf32, #tpu.memory_space<hbm>> -> memref<128x128xf32, #tpu.memory_space<hbm>>
      tpu.wait_dma2 semaphore(%arg22 : memref<!tpu.dma_semaphore, #tpu.memory_space<semaphore_mem>>) src(%dma_wait3A_272 : memref<128x128xf32, #tpu.memory_space<hbm>>) dst(%dma_wait3A_270 : memref<128x128xf32, #tpu.memory_space<vmem>>)
      %dma_wait3A_273 = arith.constant 1 : i32
      %dma_wait3A_274 = arith.constant 0 : i32
      %dma_wait3A_275 = tpu.memref_slice %arg13[%dma_wait3A_273, %dma_wait3A_274] : memref<3x128xi32, #tpu.memory_space<vmem>> -> memref<1x128xi32, #tpu.memory_space<vmem>>
      %dma_wait3A_276 = tpu.memref_squeeze %dma_wait3A_275 : memref<1x128xi32, #tpu.memory_space<vmem>> -> memref<128xi32, #tpu.memory_space<vmem>>
      %dma_wait3A_277 = tpu.memref_slice %arg3[%mul3A_259] : memref<10000xi32, #tpu.memory_space<hbm>> -> memref<128xi32, #tpu.memory_space<hbm>>
      %dma_wait3A_278 = arith.constant 0 : i32
      %dma_wait3A_279 = tpu.memref_slice %arg13[%dma_wait3A_273, %dma_wait3A_278] : memref<3x128xi32, #tpu.memory_space<vmem>> -> memref<1x128xi32, #tpu.memory_space<vmem>>
      %dma_wait3A_280 = tpu.memref_squeeze %dma_wait3A_279 : memref<1x128xi32, #tpu.memory_space<vmem>> -> memref<128xi32, #tpu.memory_space<vmem>>
      %dma_wait3A_281 = tpu.memref_slice %arg3[%mul3A_259] : memref<10000xi32, #tpu.memory_space<hbm>> -> memref<128xi32, #tpu.memory_space<hbm>>
      tpu.wait_dma2 semaphore(%arg22 : memref<!tpu.dma_semaphore, #tpu.memory_space<semaphore_mem>>) src(%dma_wait3A_281 : memref<128xi32, #tpu.memory_space<hbm>>) dst(%dma_wait3A_280 : memref<128xi32, #tpu.memory_space<vmem>>)
    } else {
    }
    %add3A_86 = arith.constant 64 : i32
    %add3A_87 = arith.addi %add3A, %add3A_86 : i32
    %lt3A_88 = arith.constant 78 : i32
    %lt3A_89 = arith.cmpi slt, %add3A_87, %lt3A_88 : i32
    %convert_element_type3A_90 = arith.extui %lt3A_89 : i1 to i32
    %cond3A_91 = arith.constant 0 : i32
    %cond3A_92 = arith.cmpi ne, %convert_element_type3A_90, %cond3A_91 : i32
    scf.if %cond3A_92 {
      %mul3A_258 = arith.constant 128 : i32
      %mul3A_259 = arith.muli %add3A_87, %mul3A_258 : i32
      %dma_wait3A_260 = arith.constant 2 : i32
      %dma_wait3A_261 = arith.constant 0 : i32
      %dma_wait3A_262 = arith.constant 0 : i32
      %dma_wait3A_263 = tpu.memref_slice %arg12[%dma_wait3A_260, %dma_wait3A_261, %dma_wait3A_262] : memref<3x128x128xf32, #tpu.memory_space<vmem>> -> memref<1x128x128xf32, #tpu.memory_space<vmem>>
      %dma_wait3A_264 = tpu.memref_squeeze %dma_wait3A_263 : memref<1x128x128xf32, #tpu.memory_space<vmem>> -> memref<128x128xf32, #tpu.memory_space<vmem>>
      %dma_wait3A_265 = arith.constant 0 : i32
      %dma_wait3A_266 = tpu.memref_slice %arg2[%mul3A_259, %dma_wait3A_265] : memref<10240x128xf32, #tpu.memory_space<hbm>> -> memref<128x128xf32, #tpu.memory_space<hbm>>
      %dma_wait3A_267 = arith.constant 0 : i32
      %dma_wait3A_268 = arith.constant 0 : i32
      %dma_wait3A_269 = tpu.memref_slice %arg12[%dma_wait3A_260, %dma_wait3A_267, %dma_wait3A_268] : memref<3x128x128xf32, #tpu.memory_space<vmem>> -> memref<1x128x128xf32, #tpu.memory_space<vmem>>
      %dma_wait3A_270 = tpu.memref_squeeze %dma_wait3A_269 : memref<1x128x128xf32, #tpu.memory_space<vmem>> -> memref<128x128xf32, #tpu.memory_space<vmem>>
      %dma_wait3A_271 = arith.constant 0 : i32
      %dma_wait3A_272 = tpu.memref_slice %arg2[%mul3A_259, %dma_wait3A_271] : memref<10240x128xf32, #tpu.memory_space<hbm>> -> memref<128x128xf32, #tpu.memory_space<hbm>>
      tpu.wait_dma2 semaphore(%arg22 : memref<!tpu.dma_semaphore, #tpu.memory_space<semaphore_mem>>) src(%dma_wait3A_272 : memref<128x128xf32, #tpu.memory_space<hbm>>) dst(%dma_wait3A_270 : memref<128x128xf32, #tpu.memory_space<vmem>>)
      %dma_wait3A_273 = arith.constant 2 : i32
      %dma_wait3A_274 = arith.constant 0 : i32
      %dma_wait3A_275 = tpu.memref_slice %arg13[%dma_wait3A_273, %dma_wait3A_274] : memref<3x128xi32, #tpu.memory_space<vmem>> -> memref<1x128xi32, #tpu.memory_space<vmem>>
      %dma_wait3A_276 = tpu.memref_squeeze %dma_wait3A_275 : memref<1x128xi32, #tpu.memory_space<vmem>> -> memref<128xi32, #tpu.memory_space<vmem>>
      %dma_wait3A_277 = tpu.memref_slice %arg3[%mul3A_259] : memref<10000xi32, #tpu.memory_space<hbm>> -> memref<128xi32, #tpu.memory_space<hbm>>
      %dma_wait3A_278 = arith.constant 0 : i32
      %dma_wait3A_279 = tpu.memref_slice %arg13[%dma_wait3A_273, %dma_wait3A_278] : memref<3x128xi32, #tpu.memory_space<vmem>> -> memref<1x128xi32, #tpu.memory_space<vmem>>
      %dma_wait3A_280 = tpu.memref_squeeze %dma_wait3A_279 : memref<1x128xi32, #tpu.memory_space<vmem>> -> memref<128xi32, #tpu.memory_space<vmem>>
      %dma_wait3A_281 = tpu.memref_slice %arg3[%mul3A_259] : memref<10000xi32, #tpu.memory_space<hbm>> -> memref<128xi32, #tpu.memory_space<hbm>>
      tpu.wait_dma2 semaphore(%arg22 : memref<!tpu.dma_semaphore, #tpu.memory_space<semaphore_mem>>) src(%dma_wait3A_281 : memref<128xi32, #tpu.memory_space<hbm>>) dst(%dma_wait3A_280 : memref<128xi32, #tpu.memory_space<vmem>>)
    } else {
    }
    %eq3A_93 = arith.constant 14 : i32
    %eq3A_94 = arith.cmpi eq, %add3A, %eq3A_93 : i32
    %convert_element_type3A_95 = arith.extui %eq3A_94 : i1 to i32
    %cond3A_96 = arith.constant 0 : i32
    %cond3A_97 = arith.cmpi ne, %convert_element_type3A_95, %cond3A_96 : i32
    scf.if %cond3A_97 {
      %dma_wait3A_258 = arith.constant 9984 : i32
      %dma_wait3A_259 = arith.constant 0 : i32
      %dma_wait3A_260 = tpu.memref_slice %arg2[%dma_wait3A_258, %dma_wait3A_259] : memref<10240x128xf32, #tpu.memory_space<hbm>> -> memref<16x128xf32, #tpu.memory_space<hbm>>
      %dma_wait3A_261 = arith.constant 9984 : i32
      %dma_wait3A_262 = arith.constant 0 : i32
      %dma_wait3A_263 = tpu.memref_slice %arg2[%dma_wait3A_261, %dma_wait3A_262] : memref<10240x128xf32, #tpu.memory_space<hbm>> -> memref<16x128xf32, #tpu.memory_space<hbm>>
      tpu.wait_dma2 semaphore(%arg22 : memref<!tpu.dma_semaphore, #tpu.memory_space<semaphore_mem>>) src(%dma_wait3A_263 : memref<16x128xf32, #tpu.memory_space<hbm>>) dst(%arg15 : memref<16x128xf32, #tpu.memory_space<vmem>>)
      %dma_wait3A_264 = arith.constant 9984 : i32
      %dma_wait3A_265 = tpu.memref_slice %arg3[%dma_wait3A_264] : memref<10000xi32, #tpu.memory_space<hbm>> -> memref<16xi32, #tpu.memory_space<hbm>>
      %dma_wait3A_266 = arith.constant 9984 : i32
      %dma_wait3A_267 = tpu.memref_slice %arg3[%dma_wait3A_266] : memref<10000xi32, #tpu.memory_space<hbm>> -> memref<16xi32, #tpu.memory_space<hbm>>
      tpu.wait_dma2 semaphore(%arg22 : memref<!tpu.dma_semaphore, #tpu.memory_space<semaphore_mem>>) src(%dma_wait3A_267 : memref<16xi32, #tpu.memory_space<hbm>>) dst(%arg16 : memref<16xi32, #tpu.memory_space<vmem>>)
    } else {
    }
    %add3A_98 = arith.constant 0 : i32
    %add3A_99 = arith.addi %add3A, %add3A_98 : i32
    %lt3A_100 = arith.constant 78 : i32
    %lt3A_101 = arith.cmpi slt, %add3A_99, %lt3A_100 : i32
    %convert_element_type3A_102 = arith.extui %lt3A_101 : i1 to i32
    %cond3A_103 = arith.constant 0 : i32
    %cond3A_104 = arith.cmpi ne, %convert_element_type3A_102, %cond3A_103 : i32
    scf.if %cond3A_104 {
      %mul3A_258 = arith.constant 128 : i32
      %mul3A_259 = arith.muli %add3A_99, %mul3A_258 : i32
      %add3A_260 = arith.constant 0 : i32
      %add3A_261 = arith.addi %mul3A_259, %add3A_260 : i32
      %iota3A = tpu.iota {dimensions = array<i32: 0>} : vector<16xi32>
      %add3A_262 = vector.broadcast %add3A_261 : i32 to vector<16xi32>
      %add3A_263 = arith.addi %add3A_262, %iota3A : vector<16xi32>
      %swap3A_264 = arith.constant 0 : i32
      %swap3A_265 = arith.constant 0 : i32
      %swap3A_266 = tpu.memref_slice %arg14[%swap3A_264, %swap3A_265] : memref<3x128xi32, #tpu.memory_space<vmem>> -> memref<1x128xi32, #tpu.memory_space<vmem>>
      %swap3A_267 = tpu.memref_squeeze %swap3A_266 : memref<1x128xi32, #tpu.memory_space<vmem>> -> memref<128xi32, #tpu.memory_space<vmem>>
      %swap3A_268 = arith.constant 0 : index
      %swap3A_269 = tpu.vector_load %swap3A_267[%swap3A_268] {strides = array<i32>} : memref<128xi32, #tpu.memory_space<vmem>>, vector<16xi32>,
      tpu.vector_store %swap3A_267[%swap3A_268], %add3A_263 {strides = array<i32>} : memref<128xi32, #tpu.memory_space<vmem>>, vector<16xi32>,
      %add3A_270 = arith.constant 16 : i32
      %add3A_271 = arith.addi %mul3A_259, %add3A_270 : i32
      %iota3A_272 = tpu.iota {dimensions = array<i32: 0>} : vector<16xi32>
      %add3A_273 = vector.broadcast %add3A_271 : i32 to vector<16xi32>
      %add3A_274 = arith.addi %add3A_273, %iota3A_272 : vector<16xi32>
      %swap3A_275 = arith.constant 0 : i32
      %swap3A_276 = arith.constant 0 : i32
      %swap3A_277 = tpu.memref_slice %arg14[%swap3A_275, %swap3A_276] : memref<3x128xi32, #tpu.memory_space<vmem>> -> memref<1x128xi32, #tpu.memory_space<vmem>>
      %swap3A_278 = tpu.memref_squeeze %swap3A_277 : memref<1x128xi32, #tpu.memory_space<vmem>> -> memref<128xi32, #tpu.memory_space<vmem>>
      %swap3A_279 = arith.constant 16 : index
      %swap3A_280 = tpu.vector_load %swap3A_278[%swap3A_279] {strides = array<i32>} : memref<128xi32, #tpu.memory_space<vmem>>, vector<16xi32>,
      tpu.vector_store %swap3A_278[%swap3A_279], %add3A_274 {strides = array<i32>} : memref<128xi32, #tpu.memory_space<vmem>>, vector<16xi32>,
      %add3A_281 = arith.constant 32 : i32
      %add3A_282 = arith.addi %mul3A_259, %add3A_281 : i32
      %iota3A_283 = tpu.iota {dimensions = array<i32: 0>} : vector<16xi32>
      %add3A_284 = vector.broadcast %add3A_282 : i32 to vector<16xi32>
      %add3A_285 = arith.addi %add3A_284, %iota3A_283 : vector<16xi32>
      %swap3A_286 = arith.constant 0 : i32
      %swap3A_287 = arith.constant 0 : i32
      %swap3A_288 = tpu.memref_slice %arg14[%swap3A_286, %swap3A_287] : memref<3x128xi32, #tpu.memory_space<vmem>> -> memref<1x128xi32, #tpu.memory_space<vmem>>
      %swap3A_289 = tpu.memref_squeeze %swap3A_288 : memref<1x128xi32, #tpu.memory_space<vmem>> -> memref<128xi32, #tpu.memory_space<vmem>>
      %swap3A_290 = arith.constant 32 : index
      %swap3A_291 = tpu.vector_load %swap3A_289[%swap3A_290] {strides = array<i32>} : memref<128xi32, #tpu.memory_space<vmem>>, vector<16xi32>,
      tpu.vector_store %swap3A_289[%swap3A_290], %add3A_285 {strides = array<i32>} : memref<128xi32, #tpu.memory_space<vmem>>, vector<16xi32>,
      %add3A_292 = arith.constant 48 : i32
      %add3A_293 = arith.addi %mul3A_259, %add3A_292 : i32
      %iota3A_294 = tpu.iota {dimensions = array<i32: 0>} : vector<16xi32>
      %add3A_295 = vector.broadcast %add3A_293 : i32 to vector<16xi32>
      %add3A_296 = arith.addi %add3A_295, %iota3A_294 : vector<16xi32>
      %swap3A_297 = arith.constant 0 : i32
      %swap3A_298 = arith.constant 0 : i32
      %swap3A_299 = tpu.memref_slice %arg14[%swap3A_297, %swap3A_298] : memref<3x128xi32, #tpu.memory_space<vmem>> -> memref<1x128xi32, #tpu.memory_space<vmem>>
      %swap3A_300 = tpu.memref_squeeze %swap3A_299 : memref<1x128xi32, #tpu.memory_space<vmem>> -> memref<128xi32, #tpu.memory_space<vmem>>
      %swap3A_301 = arith.constant 48 : index
      %swap3A_302 = tpu.vector_load %swap3A_300[%swap3A_301] {strides = array<i32>} : memref<128xi32, #tpu.memory_space<vmem>>, vector<16xi32>,
      tpu.vector_store %swap3A_300[%swap3A_301], %add3A_296 {strides = array<i32>} : memref<128xi32, #tpu.memory_space<vmem>>, vector<16xi32>,
      %add3A_303 = arith.constant 64 : i32
      %add3A_304 = arith.addi %mul3A_259, %add3A_303 : i32
      %iota3A_305 = tpu.iota {dimensions = array<i32: 0>} : vector<16xi32>
      %add3A_306 = vector.broadcast %add3A_304 : i32 to vector<16xi32>
      %add3A_307 = arith.addi %add3A_306, %iota3A_305 : vector<16xi32>
      %swap3A_308 = arith.constant 0 : i32
      %swap3A_309 = arith.constant 0 : i32
      %swap3A_310 = tpu.memref_slice %arg14[%swap3A_308, %swap3A_309] : memref<3x128xi32, #tpu.memory_space<vmem>> -> memref<1x128xi32, #tpu.memory_space<vmem>>
      %swap3A_311 = tpu.memref_squeeze %swap3A_310 : memref<1x128xi32, #tpu.memory_space<vmem>> -> memref<128xi32, #tpu.memory_space<vmem>>
      %swap3A_312 = arith.constant 64 : index
      %swap3A_313 = tpu.vector_load %swap3A_311[%swap3A_312] {strides = array<i32>} : memref<128xi32, #tpu.memory_space<vmem>>, vector<16xi32>,
      tpu.vector_store %swap3A_311[%swap3A_312], %add3A_307 {strides = array<i32>} : memref<128xi32, #tpu.memory_space<vmem>>, vector<16xi32>,
      %add3A_314 = arith.constant 80 : i32
      %add3A_315 = arith.addi %mul3A_259, %add3A_314 : i32
      %iota3A_316 = tpu.iota {dimensions = array<i32: 0>} : vector<16xi32>
      %add3A_317 = vector.broadcast %add3A_315 : i32 to vector<16xi32>
      %add3A_318 = arith.addi %add3A_317, %iota3A_316 : vector<16xi32>
      %swap3A_319 = arith.constant 0 : i32
      %swap3A_320 = arith.constant 0 : i32
      %swap3A_321 = tpu.memref_slice %arg14[%swap3A_319, %swap3A_320] : memref<3x128xi32, #tpu.memory_space<vmem>> -> memref<1x128xi32, #tpu.memory_space<vmem>>
      %swap3A_322 = tpu.memref_squeeze %swap3A_321 : memref<1x128xi32, #tpu.memory_space<vmem>> -> memref<128xi32, #tpu.memory_space<vmem>>
      %swap3A_323 = arith.constant 80 : index
      %swap3A_324 = tpu.vector_load %swap3A_322[%swap3A_323] {strides = array<i32>} : memref<128xi32, #tpu.memory_space<vmem>>, vector<16xi32>,
      tpu.vector_store %swap3A_322[%swap3A_323], %add3A_318 {strides = array<i32>} : memref<128xi32, #tpu.memory_space<vmem>>, vector<16xi32>,
      %add3A_325 = arith.constant 96 : i32
      %add3A_326 = arith.addi %mul3A_259, %add3A_325 : i32
      %iota3A_327 = tpu.iota {dimensions = array<i32: 0>} : vector<16xi32>
      %add3A_328 = vector.broadcast %add3A_326 : i32 to vector<16xi32>
      %add3A_329 = arith.addi %add3A_328, %iota3A_327 : vector<16xi32>
      %swap3A_330 = arith.constant 0 : i32
      %swap3A_331 = arith.constant 0 : i32
      %swap3A_332 = tpu.memref_slice %arg14[%swap3A_330, %swap3A_331] : memref<3x128xi32, #tpu.memory_space<vmem>> -> memref<1x128xi32, #tpu.memory_space<vmem>>
      %swap3A_333 = tpu.memref_squeeze %swap3A_332 : memref<1x128xi32, #tpu.memory_space<vmem>> -> memref<128xi32, #tpu.memory_space<vmem>>
      %swap3A_334 = arith.constant 96 : index
      %swap3A_335 = tpu.vector_load %swap3A_333[%swap3A_334] {strides = array<i32>} : memref<128xi32, #tpu.memory_space<vmem>>, vector<16xi32>,
      tpu.vector_store %swap3A_333[%swap3A_334], %add3A_329 {strides = array<i32>} : memref<128xi32, #tpu.memory_space<vmem>>, vector<16xi32>,
      %add3A_336 = arith.constant 112 : i32
      %add3A_337 = arith.addi %mul3A_259, %add3A_336 : i32
      %iota3A_338 = tpu.iota {dimensions = array<i32: 0>} : vector<16xi32>
      %add3A_339 = vector.broadcast %add3A_337 : i32 to vector<16xi32>
      %add3A_340 = arith.addi %add3A_339, %iota3A_338 : vector<16xi32>
      %swap3A_341 = arith.constant 0 : i32
      %swap3A_342 = arith.constant 0 : i32
      %swap3A_343 = tpu.memref_slice %arg14[%swap3A_341, %swap3A_342] : memref<3x128xi32, #tpu.memory_space<vmem>> -> memref<1x128xi32, #tpu.memory_space<vmem>>
      %swap3A_344 = tpu.memref_squeeze %swap3A_343 : memref<1x128xi32, #tpu.memory_space<vmem>> -> memref<128xi32, #tpu.memory_space<vmem>>
      %swap3A_345 = arith.constant 112 : index
      %swap3A_346 = tpu.vector_load %swap3A_344[%swap3A_345] {strides = array<i32>} : memref<128xi32, #tpu.memory_space<vmem>>, vector<16xi32>,
      tpu.vector_store %swap3A_344[%swap3A_345], %add3A_340 {strides = array<i32>} : memref<128xi32, #tpu.memory_space<vmem>>, vector<16xi32>,
      %dma_start3A_347 = arith.constant 0 : i32
      %dma_start3A_348 = arith.constant 0 : i32
      %dma_start3A_349 = arith.constant 0 : i32
      %dma_start3A_350 = arith.constant 0 : i32
      %dma_start3A_351 = tpu.memref_slice %arg12[%dma_start3A_347, %dma_start3A_349, %dma_start3A_350] : memref<3x128x128xf32, #tpu.memory_space<vmem>> -> memref<1x128x128xf32, #tpu.memory_space<vmem>>
      %dma_start3A_352 = tpu.memref_squeeze %dma_start3A_351 : memref<1x128x128xf32, #tpu.memory_space<vmem>> -> memref<128x128xf32, #tpu.memory_space<vmem>>
      %dma_start3A_353 = arith.constant 0 : i32
      %dma_start3A_354 = tpu.memref_slice %arg13[%dma_start3A_348, %dma_start3A_353] : memref<3x128xi32, #tpu.memory_space<vmem>> -> memref<1x128xi32, #tpu.memory_space<vmem>>
      %dma_start3A_355 = tpu.memref_squeeze %dma_start3A_354 : memref<1x128xi32, #tpu.memory_space<vmem>> -> memref<128xi32, #tpu.memory_space<vmem>>
      %dma_start3A_356 = arith.constant 0 : i32
      %dma_start3A_357 = arith.constant 0 : i32
      %dma_start3A_358 = tpu.memref_slice %arg5[%dma_start3A_356, %dma_start3A_357] : memref<10000x128xf32, #tpu.memory_space<hbm>> -> memref<10000x128xf32, #tpu.memory_space<hbm>>
      tpu.enqueue_indirect_dma source(%dma_start3A_352 : memref<128x128xf32, #tpu.memory_space<vmem>>) target(%dma_start3A_358 : memref<10000x128xf32, #tpu.memory_space<hbm>>) offsets(%dma_start3A_355 : memref<128xi32, #tpu.memory_space<vmem>>) semaphore(%arg23 : memref<!tpu.dma_semaphore, #tpu.memory_space<semaphore_mem>>)
      %dma_start3A_359 = arith.constant 0 : i32
      %dma_start3A_360 = arith.constant 0 : i32
      %dma_start3A_361 = arith.constant 0 : i32
      %dma_start3A_362 = tpu.memref_slice %arg14[%dma_start3A_359, %dma_start3A_361] : memref<3x128xi32, #tpu.memory_space<vmem>> -> memref<1x128xi32, #tpu.memory_space<vmem>>
      %dma_start3A_363 = tpu.memref_squeeze %dma_start3A_362 : memref<1x128xi32, #tpu.memory_space<vmem>> -> memref<128xi32, #tpu.memory_space<vmem>>
      %dma_start3A_364 = arith.constant 0 : i32
      %dma_start3A_365 = tpu.memref_slice %arg13[%dma_start3A_360, %dma_start3A_364] : memref<3x128xi32, #tpu.memory_space<vmem>> -> memref<1x128xi32, #tpu.memory_space<vmem>>
      %dma_start3A_366 = tpu.memref_squeeze %dma_start3A_365 : memref<1x128xi32, #tpu.memory_space<vmem>> -> memref<128xi32, #tpu.memory_space<vmem>>
      %dma_start3A_367 = arith.constant 0 : i32
      %dma_start3A_368 = tpu.memref_slice %arg7[%dma_start3A_367] : memref<10000xi32, #tpu.memory_space<hbm>> -> memref<10000xi32, #tpu.memory_space<hbm>>
      tpu.enqueue_indirect_dma source(%dma_start3A_363 : memref<128xi32, #tpu.memory_space<vmem>>) target(%dma_start3A_368 : memref<10000xi32, #tpu.memory_space<hbm>>) offsets(%dma_start3A_366 : memref<128xi32, #tpu.memory_space<vmem>>) semaphore(%arg23 : memref<!tpu.dma_semaphore, #tpu.memory_space<semaphore_mem>>)
    } else {
    }
    %add3A_105 = arith.constant 32 : i32
    %add3A_106 = arith.addi %add3A, %add3A_105 : i32
    %lt3A_107 = arith.constant 78 : i32
    %lt3A_108 = arith.cmpi slt, %add3A_106, %lt3A_107 : i32
    %convert_element_type3A_109 = arith.extui %lt3A_108 : i1 to i32
    %cond3A_110 = arith.constant 0 : i32
    %cond3A_111 = arith.cmpi ne, %convert_element_type3A_109, %cond3A_110 : i32
    scf.if %cond3A_111 {
      %mul3A_258 = arith.constant 128 : i32
      %mul3A_259 = arith.muli %add3A_106, %mul3A_258 : i32
      %add3A_260 = arith.constant 0 : i32
      %add3A_261 = arith.addi %mul3A_259, %add3A_260 : i32
      %iota3A = tpu.iota {dimensions = array<i32: 0>} : vector<16xi32>
      %add3A_262 = vector.broadcast %add3A_261 : i32 to vector<16xi32>
      %add3A_263 = arith.addi %add3A_262, %iota3A : vector<16xi32>
      %swap3A_264 = arith.constant 1 : i32
      %swap3A_265 = arith.constant 0 : i32
      %swap3A_266 = tpu.memref_slice %arg14[%swap3A_264, %swap3A_265] : memref<3x128xi32, #tpu.memory_space<vmem>> -> memref<1x128xi32, #tpu.memory_space<vmem>>
      %swap3A_267 = tpu.memref_squeeze %swap3A_266 : memref<1x128xi32, #tpu.memory_space<vmem>> -> memref<128xi32, #tpu.memory_space<vmem>>
      %swap3A_268 = arith.constant 0 : index
      %swap3A_269 = tpu.vector_load %swap3A_267[%swap3A_268] {strides = array<i32>} : memref<128xi32, #tpu.memory_space<vmem>>, vector<16xi32>,
      tpu.vector_store %swap3A_267[%swap3A_268], %add3A_263 {strides = array<i32>} : memref<128xi32, #tpu.memory_space<vmem>>, vector<16xi32>,
      %add3A_270 = arith.constant 16 : i32
      %add3A_271 = arith.addi %mul3A_259, %add3A_270 : i32
      %iota3A_272 = tpu.iota {dimensions = array<i32: 0>} : vector<16xi32>
      %add3A_273 = vector.broadcast %add3A_271 : i32 to vector<16xi32>
      %add3A_274 = arith.addi %add3A_273, %iota3A_272 : vector<16xi32>
      %swap3A_275 = arith.constant 1 : i32
      %swap3A_276 = arith.constant 0 : i32
      %swap3A_277 = tpu.memref_slice %arg14[%swap3A_275, %swap3A_276] : memref<3x128xi32, #tpu.memory_space<vmem>> -> memref<1x128xi32, #tpu.memory_space<vmem>>
      %swap3A_278 = tpu.memref_squeeze %swap3A_277 : memref<1x128xi32, #tpu.memory_space<vmem>> -> memref<128xi32, #tpu.memory_space<vmem>>
      %swap3A_279 = arith.constant 16 : index
      %swap3A_280 = tpu.vector_load %swap3A_278[%swap3A_279] {strides = array<i32>} : memref<128xi32, #tpu.memory_space<vmem>>, vector<16xi32>,
      tpu.vector_store %swap3A_278[%swap3A_279], %add3A_274 {strides = array<i32>} : memref<128xi32, #tpu.memory_space<vmem>>, vector<16xi32>,
      %add3A_281 = arith.constant 32 : i32
      %add3A_282 = arith.addi %mul3A_259, %add3A_281 : i32
      %iota3A_283 = tpu.iota {dimensions = array<i32: 0>} : vector<16xi32>
      %add3A_284 = vector.broadcast %add3A_282 : i32 to vector<16xi32>
      %add3A_285 = arith.addi %add3A_284, %iota3A_283 : vector<16xi32>
      %swap3A_286 = arith.constant 1 : i32
      %swap3A_287 = arith.constant 0 : i32
      %swap3A_288 = tpu.memref_slice %arg14[%swap3A_286, %swap3A_287] : memref<3x128xi32, #tpu.memory_space<vmem>> -> memref<1x128xi32, #tpu.memory_space<vmem>>
      %swap3A_289 = tpu.memref_squeeze %swap3A_288 : memref<1x128xi32, #tpu.memory_space<vmem>> -> memref<128xi32, #tpu.memory_space<vmem>>
      %swap3A_290 = arith.constant 32 : index
      %swap3A_291 = tpu.vector_load %swap3A_289[%swap3A_290] {strides = array<i32>} : memref<128xi32, #tpu.memory_space<vmem>>, vector<16xi32>,
      tpu.vector_store %swap3A_289[%swap3A_290], %add3A_285 {strides = array<i32>} : memref<128xi32, #tpu.memory_space<vmem>>, vector<16xi32>,
      %add3A_292 = arith.constant 48 : i32
      %add3A_293 = arith.addi %mul3A_259, %add3A_292 : i32
      %iota3A_294 = tpu.iota {dimensions = array<i32: 0>} : vector<16xi32>
      %add3A_295 = vector.broadcast %add3A_293 : i32 to vector<16xi32>
      %add3A_296 = arith.addi %add3A_295, %iota3A_294 : vector<16xi32>
      %swap3A_297 = arith.constant 1 : i32
      %swap3A_298 = arith.constant 0 : i32
      %swap3A_299 = tpu.memref_slice %arg14[%swap3A_297, %swap3A_298] : memref<3x128xi32, #tpu.memory_space<vmem>> -> memref<1x128xi32, #tpu.memory_space<vmem>>
      %swap3A_300 = tpu.memref_squeeze %swap3A_299 : memref<1x128xi32, #tpu.memory_space<vmem>> -> memref<128xi32, #tpu.memory_space<vmem>>
      %swap3A_301 = arith.constant 48 : index
      %swap3A_302 = tpu.vector_load %swap3A_300[%swap3A_301] {strides = array<i32>} : memref<128xi32, #tpu.memory_space<vmem>>, vector<16xi32>,
      tpu.vector_store %swap3A_300[%swap3A_301], %add3A_296 {strides = array<i32>} : memref<128xi32, #tpu.memory_space<vmem>>, vector<16xi32>,
      %add3A_303 = arith.constant 64 : i32
      %add3A_304 = arith.addi %mul3A_259, %add3A_303 : i32
      %iota3A_305 = tpu.iota {dimensions = array<i32: 0>} : vector<16xi32>
      %add3A_306 = vector.broadcast %add3A_304 : i32 to vector<16xi32>
      %add3A_307 = arith.addi %add3A_306, %iota3A_305 : vector<16xi32>
      %swap3A_308 = arith.constant 1 : i32
      %swap3A_309 = arith.constant 0 : i32
      %swap3A_310 = tpu.memref_slice %arg14[%swap3A_308, %swap3A_309] : memref<3x128xi32, #tpu.memory_space<vmem>> -> memref<1x128xi32, #tpu.memory_space<vmem>>
      %swap3A_311 = tpu.memref_squeeze %swap3A_310 : memref<1x128xi32, #tpu.memory_space<vmem>> -> memref<128xi32, #tpu.memory_space<vmem>>
      %swap3A_312 = arith.constant 64 : index
      %swap3A_313 = tpu.vector_load %swap3A_311[%swap3A_312] {strides = array<i32>} : memref<128xi32, #tpu.memory_space<vmem>>, vector<16xi32>,
      tpu.vector_store %swap3A_311[%swap3A_312], %add3A_307 {strides = array<i32>} : memref<128xi32, #tpu.memory_space<vmem>>, vector<16xi32>,
      %add3A_314 = arith.constant 80 : i32
      %add3A_315 = arith.addi %mul3A_259, %add3A_314 : i32
      %iota3A_316 = tpu.iota {dimensions = array<i32: 0>} : vector<16xi32>
      %add3A_317 = vector.broadcast %add3A_315 : i32 to vector<16xi32>
      %add3A_318 = arith.addi %add3A_317, %iota3A_316 : vector<16xi32>
      %swap3A_319 = arith.constant 1 : i32
      %swap3A_320 = arith.constant 0 : i32
      %swap3A_321 = tpu.memref_slice %arg14[%swap3A_319, %swap3A_320] : memref<3x128xi32, #tpu.memory_space<vmem>> -> memref<1x128xi32, #tpu.memory_space<vmem>>
      %swap3A_322 = tpu.memref_squeeze %swap3A_321 : memref<1x128xi32, #tpu.memory_space<vmem>> -> memref<128xi32, #tpu.memory_space<vmem>>
      %swap3A_323 = arith.constant 80 : index
      %swap3A_324 = tpu.vector_load %swap3A_322[%swap3A_323] {strides = array<i32>} : memref<128xi32, #tpu.memory_space<vmem>>, vector<16xi32>,
      tpu.vector_store %swap3A_322[%swap3A_323], %add3A_318 {strides = array<i32>} : memref<128xi32, #tpu.memory_space<vmem>>, vector<16xi32>,
      %add3A_325 = arith.constant 96 : i32
      %add3A_326 = arith.addi %mul3A_259, %add3A_325 : i32
      %iota3A_327 = tpu.iota {dimensions = array<i32: 0>} : vector<16xi32>
      %add3A_328 = vector.broadcast %add3A_326 : i32 to vector<16xi32>
      %add3A_329 = arith.addi %add3A_328, %iota3A_327 : vector<16xi32>
      %swap3A_330 = arith.constant 1 : i32
      %swap3A_331 = arith.constant 0 : i32
      %swap3A_332 = tpu.memref_slice %arg14[%swap3A_330, %swap3A_331] : memref<3x128xi32, #tpu.memory_space<vmem>> -> memref<1x128xi32, #tpu.memory_space<vmem>>
      %swap3A_333 = tpu.memref_squeeze %swap3A_332 : memref<1x128xi32, #tpu.memory_space<vmem>> -> memref<128xi32, #tpu.memory_space<vmem>>
      %swap3A_334 = arith.constant 96 : index
      %swap3A_335 = tpu.vector_load %swap3A_333[%swap3A_334] {strides = array<i32>} : memref<128xi32, #tpu.memory_space<vmem>>, vector<16xi32>,
      tpu.vector_store %swap3A_333[%swap3A_334], %add3A_329 {strides = array<i32>} : memref<128xi32, #tpu.memory_space<vmem>>, vector<16xi32>,
      %add3A_336 = arith.constant 112 : i32
      %add3A_337 = arith.addi %mul3A_259, %add3A_336 : i32
      %iota3A_338 = tpu.iota {dimensions = array<i32: 0>} : vector<16xi32>
      %add3A_339 = vector.broadcast %add3A_337 : i32 to vector<16xi32>
      %add3A_340 = arith.addi %add3A_339, %iota3A_338 : vector<16xi32>
      %swap3A_341 = arith.constant 1 : i32
      %swap3A_342 = arith.constant 0 : i32
      %swap3A_343 = tpu.memref_slice %arg14[%swap3A_341, %swap3A_342] : memref<3x128xi32, #tpu.memory_space<vmem>> -> memref<1x128xi32, #tpu.memory_space<vmem>>
      %swap3A_344 = tpu.memref_squeeze %swap3A_343 : memref<1x128xi32, #tpu.memory_space<vmem>> -> memref<128xi32, #tpu.memory_space<vmem>>
      %swap3A_345 = arith.constant 112 : index
      %swap3A_346 = tpu.vector_load %swap3A_344[%swap3A_345] {strides = array<i32>} : memref<128xi32, #tpu.memory_space<vmem>>, vector<16xi32>,
      tpu.vector_store %swap3A_344[%swap3A_345], %add3A_340 {strides = array<i32>} : memref<128xi32, #tpu.memory_space<vmem>>, vector<16xi32>,
      %dma_start3A_347 = arith.constant 1 : i32
      %dma_start3A_348 = arith.constant 1 : i32
      %dma_start3A_349 = arith.constant 0 : i32
      %dma_start3A_350 = arith.constant 0 : i32
      %dma_start3A_351 = tpu.memref_slice %arg12[%dma_start3A_347, %dma_start3A_349, %dma_start3A_350] : memref<3x128x128xf32, #tpu.memory_space<vmem>> -> memref<1x128x128xf32, #tpu.memory_space<vmem>>
      %dma_start3A_352 = tpu.memref_squeeze %dma_start3A_351 : memref<1x128x128xf32, #tpu.memory_space<vmem>> -> memref<128x128xf32, #tpu.memory_space<vmem>>
      %dma_start3A_353 = arith.constant 0 : i32
      %dma_start3A_354 = tpu.memref_slice %arg13[%dma_start3A_348, %dma_start3A_353] : memref<3x128xi32, #tpu.memory_space<vmem>> -> memref<1x128xi32, #tpu.memory_space<vmem>>
      %dma_start3A_355 = tpu.memref_squeeze %dma_start3A_354 : memref<1x128xi32, #tpu.memory_space<vmem>> -> memref<128xi32, #tpu.memory_space<vmem>>
      %dma_start3A_356 = arith.constant 0 : i32
      %dma_start3A_357 = arith.constant 0 : i32
      %dma_start3A_358 = tpu.memref_slice %arg5[%dma_start3A_356, %dma_start3A_357] : memref<10000x128xf32, #tpu.memory_space<hbm>> -> memref<10000x128xf32, #tpu.memory_space<hbm>>
      tpu.enqueue_indirect_dma source(%dma_start3A_352 : memref<128x128xf32, #tpu.memory_space<vmem>>) target(%dma_start3A_358 : memref<10000x128xf32, #tpu.memory_space<hbm>>) offsets(%dma_start3A_355 : memref<128xi32, #tpu.memory_space<vmem>>) semaphore(%arg23 : memref<!tpu.dma_semaphore, #tpu.memory_space<semaphore_mem>>)
      %dma_start3A_359 = arith.constant 1 : i32
      %dma_start3A_360 = arith.constant 1 : i32
      %dma_start3A_361 = arith.constant 0 : i32
      %dma_start3A_362 = tpu.memref_slice %arg14[%dma_start3A_359, %dma_start3A_361] : memref<3x128xi32, #tpu.memory_space<vmem>> -> memref<1x128xi32, #tpu.memory_space<vmem>>
      %dma_start3A_363 = tpu.memref_squeeze %dma_start3A_362 : memref<1x128xi32, #tpu.memory_space<vmem>> -> memref<128xi32, #tpu.memory_space<vmem>>
      %dma_start3A_364 = arith.constant 0 : i32
      %dma_start3A_365 = tpu.memref_slice %arg13[%dma_start3A_360, %dma_start3A_364] : memref<3x128xi32, #tpu.memory_space<vmem>> -> memref<1x128xi32, #tpu.memory_space<vmem>>
      %dma_start3A_366 = tpu.memref_squeeze %dma_start3A_365 : memref<1x128xi32, #tpu.memory_space<vmem>> -> memref<128xi32, #tpu.memory_space<vmem>>
      %dma_start3A_367 = arith.constant 0 : i32
      %dma_start3A_368 = tpu.memref_slice %arg7[%dma_start3A_367] : memref<10000xi32, #tpu.memory_space<hbm>> -> memref<10000xi32, #tpu.memory_space<hbm>>
      tpu.enqueue_indirect_dma source(%dma_start3A_363 : memref<128xi32, #tpu.memory_space<vmem>>) target(%dma_start3A_368 : memref<10000xi32, #tpu.memory_space<hbm>>) offsets(%dma_start3A_366 : memref<128xi32, #tpu.memory_space<vmem>>) semaphore(%arg23 : memref<!tpu.dma_semaphore, #tpu.memory_space<semaphore_mem>>)
    } else {
    }
    %add3A_112 = arith.constant 64 : i32
    %add3A_113 = arith.addi %add3A, %add3A_112 : i32
    %lt3A_114 = arith.constant 78 : i32
    %lt3A_115 = arith.cmpi slt, %add3A_113, %lt3A_114 : i32
    %convert_element_type3A_116 = arith.extui %lt3A_115 : i1 to i32
    %cond3A_117 = arith.constant 0 : i32
    %cond3A_118 = arith.cmpi ne, %convert_element_type3A_116, %cond3A_117 : i32
    scf.if %cond3A_118 {
      %mul3A_258 = arith.constant 128 : i32
      %mul3A_259 = arith.muli %add3A_113, %mul3A_258 : i32
      %add3A_260 = arith.constant 0 : i32
      %add3A_261 = arith.addi %mul3A_259, %add3A_260 : i32
      %iota3A = tpu.iota {dimensions = array<i32: 0>} : vector<16xi32>
      %add3A_262 = vector.broadcast %add3A_261 : i32 to vector<16xi32>
      %add3A_263 = arith.addi %add3A_262, %iota3A : vector<16xi32>
      %swap3A_264 = arith.constant 2 : i32
      %swap3A_265 = arith.constant 0 : i32
      %swap3A_266 = tpu.memref_slice %arg14[%swap3A_264, %swap3A_265] : memref<3x128xi32, #tpu.memory_space<vmem>> -> memref<1x128xi32, #tpu.memory_space<vmem>>
      %swap3A_267 = tpu.memref_squeeze %swap3A_266 : memref<1x128xi32, #tpu.memory_space<vmem>> -> memref<128xi32, #tpu.memory_space<vmem>>
      %swap3A_268 = arith.constant 0 : index
      %swap3A_269 = tpu.vector_load %swap3A_267[%swap3A_268] {strides = array<i32>} : memref<128xi32, #tpu.memory_space<vmem>>, vector<16xi32>,
      tpu.vector_store %swap3A_267[%swap3A_268], %add3A_263 {strides = array<i32>} : memref<128xi32, #tpu.memory_space<vmem>>, vector<16xi32>,
      %add3A_270 = arith.constant 16 : i32
      %add3A_271 = arith.addi %mul3A_259, %add3A_270 : i32
      %iota3A_272 = tpu.iota {dimensions = array<i32: 0>} : vector<16xi32>
      %add3A_273 = vector.broadcast %add3A_271 : i32 to vector<16xi32>
      %add3A_274 = arith.addi %add3A_273, %iota3A_272 : vector<16xi32>
      %swap3A_275 = arith.constant 2 : i32
      %swap3A_276 = arith.constant 0 : i32
      %swap3A_277 = tpu.memref_slice %arg14[%swap3A_275, %swap3A_276] : memref<3x128xi32, #tpu.memory_space<vmem>> -> memref<1x128xi32, #tpu.memory_space<vmem>>
      %swap3A_278 = tpu.memref_squeeze %swap3A_277 : memref<1x128xi32, #tpu.memory_space<vmem>> -> memref<128xi32, #tpu.memory_space<vmem>>
      %swap3A_279 = arith.constant 16 : index
      %swap3A_280 = tpu.vector_load %swap3A_278[%swap3A_279] {strides = array<i32>} : memref<128xi32, #tpu.memory_space<vmem>>, vector<16xi32>,
      tpu.vector_store %swap3A_278[%swap3A_279], %add3A_274 {strides = array<i32>} : memref<128xi32, #tpu.memory_space<vmem>>, vector<16xi32>,
      %add3A_281 = arith.constant 32 : i32
      %add3A_282 = arith.addi %mul3A_259, %add3A_281 : i32
      %iota3A_283 = tpu.iota {dimensions = array<i32: 0>} : vector<16xi32>
      %add3A_284 = vector.broadcast %add3A_282 : i32 to vector<16xi32>
      %add3A_285 = arith.addi %add3A_284, %iota3A_283 : vector<16xi32>
      %swap3A_286 = arith.constant 2 : i32
      %swap3A_287 = arith.constant 0 : i32
      %swap3A_288 = tpu.memref_slice %arg14[%swap3A_286, %swap3A_287] : memref<3x128xi32, #tpu.memory_space<vmem>> -> memref<1x128xi32, #tpu.memory_space<vmem>>
      %swap3A_289 = tpu.memref_squeeze %swap3A_288 : memref<1x128xi32, #tpu.memory_space<vmem>> -> memref<128xi32, #tpu.memory_space<vmem>>
      %swap3A_290 = arith.constant 32 : index
      %swap3A_291 = tpu.vector_load %swap3A_289[%swap3A_290] {strides = array<i32>} : memref<128xi32, #tpu.memory_space<vmem>>, vector<16xi32>,
      tpu.vector_store %swap3A_289[%swap3A_290], %add3A_285 {strides = array<i32>} : memref<128xi32, #tpu.memory_space<vmem>>, vector<16xi32>,
      %add3A_292 = arith.constant 48 : i32
      %add3A_293 = arith.addi %mul3A_259, %add3A_292 : i32
      %iota3A_294 = tpu.iota {dimensions = array<i32: 0>} : vector<16xi32>
      %add3A_295 = vector.broadcast %add3A_293 : i32 to vector<16xi32>
      %add3A_296 = arith.addi %add3A_295, %iota3A_294 : vector<16xi32>
      %swap3A_297 = arith.constant 2 : i32
      %swap3A_298 = arith.constant 0 : i32
      %swap3A_299 = tpu.memref_slice %arg14[%swap3A_297, %swap3A_298] : memref<3x128xi32, #tpu.memory_space<vmem>> -> memref<1x128xi32, #tpu.memory_space<vmem>>
      %swap3A_300 = tpu.memref_squeeze %swap3A_299 : memref<1x128xi32, #tpu.memory_space<vmem>> -> memref<128xi32, #tpu.memory_space<vmem>>
      %swap3A_301 = arith.constant 48 : index
      %swap3A_302 = tpu.vector_load %swap3A_300[%swap3A_301] {strides = array<i32>} : memref<128xi32, #tpu.memory_space<vmem>>, vector<16xi32>,
      tpu.vector_store %swap3A_300[%swap3A_301], %add3A_296 {strides = array<i32>} : memref<128xi32, #tpu.memory_space<vmem>>, vector<16xi32>,
      %add3A_303 = arith.constant 64 : i32
      %add3A_304 = arith.addi %mul3A_259, %add3A_303 : i32
      %iota3A_305 = tpu.iota {dimensions = array<i32: 0>} : vector<16xi32>
      %add3A_306 = vector.broadcast %add3A_304 : i32 to vector<16xi32>
      %add3A_307 = arith.addi %add3A_306, %iota3A_305 : vector<16xi32>
      %swap3A_308 = arith.constant 2 : i32
      %swap3A_309 = arith.constant 0 : i32
      %swap3A_310 = tpu.memref_slice %arg14[%swap3A_308, %swap3A_309] : memref<3x128xi32, #tpu.memory_space<vmem>> -> memref<1x128xi32, #tpu.memory_space<vmem>>
      %swap3A_311 = tpu.memref_squeeze %swap3A_310 : memref<1x128xi32, #tpu.memory_space<vmem>> -> memref<128xi32, #tpu.memory_space<vmem>>
      %swap3A_312 = arith.constant 64 : index
      %swap3A_313 = tpu.vector_load %swap3A_311[%swap3A_312] {strides = array<i32>} : memref<128xi32, #tpu.memory_space<vmem>>, vector<16xi32>,
      tpu.vector_store %swap3A_311[%swap3A_312], %add3A_307 {strides = array<i32>} : memref<128xi32, #tpu.memory_space<vmem>>, vector<16xi32>,
      %add3A_314 = arith.constant 80 : i32
      %add3A_315 = arith.addi %mul3A_259, %add3A_314 : i32
      %iota3A_316 = tpu.iota {dimensions = array<i32: 0>} : vector<16xi32>
      %add3A_317 = vector.broadcast %add3A_315 : i32 to vector<16xi32>
      %add3A_318 = arith.addi %add3A_317, %iota3A_316 : vector<16xi32>
      %swap3A_319 = arith.constant 2 : i32
      %swap3A_320 = arith.constant 0 : i32
      %swap3A_321 = tpu.memref_slice %arg14[%swap3A_319, %swap3A_320] : memref<3x128xi32, #tpu.memory_space<vmem>> -> memref<1x128xi32, #tpu.memory_space<vmem>>
      %swap3A_322 = tpu.memref_squeeze %swap3A_321 : memref<1x128xi32, #tpu.memory_space<vmem>> -> memref<128xi32, #tpu.memory_space<vmem>>
      %swap3A_323 = arith.constant 80 : index
      %swap3A_324 = tpu.vector_load %swap3A_322[%swap3A_323] {strides = array<i32>} : memref<128xi32, #tpu.memory_space<vmem>>, vector<16xi32>,
      tpu.vector_store %swap3A_322[%swap3A_323], %add3A_318 {strides = array<i32>} : memref<128xi32, #tpu.memory_space<vmem>>, vector<16xi32>,
      %add3A_325 = arith.constant 96 : i32
      %add3A_326 = arith.addi %mul3A_259, %add3A_325 : i32
      %iota3A_327 = tpu.iota {dimensions = array<i32: 0>} : vector<16xi32>
      %add3A_328 = vector.broadcast %add3A_326 : i32 to vector<16xi32>
      %add3A_329 = arith.addi %add3A_328, %iota3A_327 : vector<16xi32>
      %swap3A_330 = arith.constant 2 : i32
      %swap3A_331 = arith.constant 0 : i32
      %swap3A_332 = tpu.memref_slice %arg14[%swap3A_330, %swap3A_331] : memref<3x128xi32, #tpu.memory_space<vmem>> -> memref<1x128xi32, #tpu.memory_space<vmem>>
      %swap3A_333 = tpu.memref_squeeze %swap3A_332 : memref<1x128xi32, #tpu.memory_space<vmem>> -> memref<128xi32, #tpu.memory_space<vmem>>
      %swap3A_334 = arith.constant 96 : index
      %swap3A_335 = tpu.vector_load %swap3A_333[%swap3A_334] {strides = array<i32>} : memref<128xi32, #tpu.memory_space<vmem>>, vector<16xi32>,
      tpu.vector_store %swap3A_333[%swap3A_334], %add3A_329 {strides = array<i32>} : memref<128xi32, #tpu.memory_space<vmem>>, vector<16xi32>,
      %add3A_336 = arith.constant 112 : i32
      %add3A_337 = arith.addi %mul3A_259, %add3A_336 : i32
      %iota3A_338 = tpu.iota {dimensions = array<i32: 0>} : vector<16xi32>
      %add3A_339 = vector.broadcast %add3A_337 : i32 to vector<16xi32>
      %add3A_340 = arith.addi %add3A_339, %iota3A_338 : vector<16xi32>
      %swap3A_341 = arith.constant 2 : i32
      %swap3A_342 = arith.constant 0 : i32
      %swap3A_343 = tpu.memref_slice %arg14[%swap3A_341, %swap3A_342] : memref<3x128xi32, #tpu.memory_space<vmem>> -> memref<1x128xi32, #tpu.memory_space<vmem>>
      %swap3A_344 = tpu.memref_squeeze %swap3A_343 : memref<1x128xi32, #tpu.memory_space<vmem>> -> memref<128xi32, #tpu.memory_space<vmem>>
      %swap3A_345 = arith.constant 112 : index
      %swap3A_346 = tpu.vector_load %swap3A_344[%swap3A_345] {strides = array<i32>} : memref<128xi32, #tpu.memory_space<vmem>>, vector<16xi32>,
      tpu.vector_store %swap3A_344[%swap3A_345], %add3A_340 {strides = array<i32>} : memref<128xi32, #tpu.memory_space<vmem>>, vector<16xi32>,
      %dma_start3A_347 = arith.constant 2 : i32
      %dma_start3A_348 = arith.constant 2 : i32
      %dma_start3A_349 = arith.constant 0 : i32
      %dma_start3A_350 = arith.constant 0 : i32
      %dma_start3A_351 = tpu.memref_slice %arg12[%dma_start3A_347, %dma_start3A_349, %dma_start3A_350] : memref<3x128x128xf32, #tpu.memory_space<vmem>> -> memref<1x128x128xf32, #tpu.memory_space<vmem>>
      %dma_start3A_352 = tpu.memref_squeeze %dma_start3A_351 : memref<1x128x128xf32, #tpu.memory_space<vmem>> -> memref<128x128xf32, #tpu.memory_space<vmem>>
      %dma_start3A_353 = arith.constant 0 : i32
      %dma_start3A_354 = tpu.memref_slice %arg13[%dma_start3A_348, %dma_start3A_353] : memref<3x128xi32, #tpu.memory_space<vmem>> -> memref<1x128xi32, #tpu.memory_space<vmem>>
      %dma_start3A_355 = tpu.memref_squeeze %dma_start3A_354 : memref<1x128xi32, #tpu.memory_space<vmem>> -> memref<128xi32, #tpu.memory_space<vmem>>
      %dma_start3A_356 = arith.constant 0 : i32
      %dma_start3A_357 = arith.constant 0 : i32
      %dma_start3A_358 = tpu.memref_slice %arg5[%dma_start3A_356, %dma_start3A_357] : memref<10000x128xf32, #tpu.memory_space<hbm>> -> memref<10000x128xf32, #tpu.memory_space<hbm>>
      tpu.enqueue_indirect_dma source(%dma_start3A_352 : memref<128x128xf32, #tpu.memory_space<vmem>>) target(%dma_start3A_358 : memref<10000x128xf32, #tpu.memory_space<hbm>>) offsets(%dma_start3A_355 : memref<128xi32, #tpu.memory_space<vmem>>) semaphore(%arg23 : memref<!tpu.dma_semaphore, #tpu.memory_space<semaphore_mem>>)
      %dma_start3A_359 = arith.constant 2 : i32
      %dma_start3A_360 = arith.constant 2 : i32
      %dma_start3A_361 = arith.constant 0 : i32
      %dma_start3A_362 = tpu.memref_slice %arg14[%dma_start3A_359, %dma_start3A_361] : memref<3x128xi32, #tpu.memory_space<vmem>> -> memref<1x128xi32, #tpu.memory_space<vmem>>
      %dma_start3A_363 = tpu.memref_squeeze %dma_start3A_362 : memref<1x128xi32, #tpu.memory_space<vmem>> -> memref<128xi32, #tpu.memory_space<vmem>>
      %dma_start3A_364 = arith.constant 0 : i32
      %dma_start3A_365 = tpu.memref_slice %arg13[%dma_start3A_360, %dma_start3A_364] : memref<3x128xi32, #tpu.memory_space<vmem>> -> memref<1x128xi32, #tpu.memory_space<vmem>>
      %dma_start3A_366 = tpu.memref_squeeze %dma_start3A_365 : memref<1x128xi32, #tpu.memory_space<vmem>> -> memref<128xi32, #tpu.memory_space<vmem>>
      %dma_start3A_367 = arith.constant 0 : i32
      %dma_start3A_368 = tpu.memref_slice %arg7[%dma_start3A_367] : memref<10000xi32, #tpu.memory_space<hbm>> -> memref<10000xi32, #tpu.memory_space<hbm>>
      tpu.enqueue_indirect_dma source(%dma_start3A_363 : memref<128xi32, #tpu.memory_space<vmem>>) target(%dma_start3A_368 : memref<10000xi32, #tpu.memory_space<hbm>>) offsets(%dma_start3A_366 : memref<128xi32, #tpu.memory_space<vmem>>) semaphore(%arg23 : memref<!tpu.dma_semaphore, #tpu.memory_space<semaphore_mem>>)
    } else {
    }
    %eq3A_119 = arith.constant 14 : i32
    %eq3A_120 = arith.cmpi eq, %add3A, %eq3A_119 : i32
    %convert_element_type3A_121 = arith.extui %eq3A_120 : i1 to i32
    %cond3A_122 = arith.constant 0 : i32
    %cond3A_123 = arith.cmpi ne, %convert_element_type3A_121, %cond3A_122 : i32
    scf.if %cond3A_123 {
      %iota3A = tpu.iota {dimensions = array<i32: 0>} : vector<16xi32>
      %add3A_258 = arith.constant 9984 : i32
      %add3A_259 = vector.broadcast %add3A_258 : i32 to vector<16xi32>
      %add3A_260 = arith.addi %add3A_259, %iota3A : vector<16xi32>
      %swap3A_261 = arith.constant 0 : index
      %swap3A_262 = tpu.vector_load %arg17[%swap3A_261] {strides = array<i32>} : memref<16xi32, #tpu.memory_space<vmem>>, vector<16xi32>,
      tpu.vector_store %arg17[%swap3A_261], %add3A_260 {strides = array<i32>} : memref<16xi32, #tpu.memory_space<vmem>>, vector<16xi32>,
      %dma_start3A_263 = arith.constant 0 : i32
      %dma_start3A_264 = arith.constant 0 : i32
      %dma_start3A_265 = tpu.memref_slice %arg5[%dma_start3A_263, %dma_start3A_264] : memref<10000x128xf32, #tpu.memory_space<hbm>> -> memref<10000x128xf32, #tpu.memory_space<hbm>>
      tpu.enqueue_indirect_dma source(%arg15 : memref<16x128xf32, #tpu.memory_space<vmem>>) target(%dma_start3A_265 : memref<10000x128xf32, #tpu.memory_space<hbm>>) offsets(%arg16 : memref<16xi32, #tpu.memory_space<vmem>>) semaphore(%arg23 : memref<!tpu.dma_semaphore, #tpu.memory_space<semaphore_mem>>)
      %dma_start3A_266 = arith.constant 0 : i32
      %dma_start3A_267 = tpu.memref_slice %arg7[%dma_start3A_266] : memref<10000xi32, #tpu.memory_space<hbm>> -> memref<10000xi32, #tpu.memory_space<hbm>>
      tpu.enqueue_indirect_dma source(%arg17 : memref<16xi32, #tpu.memory_space<vmem>>) target(%dma_start3A_267 : memref<10000xi32, #tpu.memory_space<hbm>>) offsets(%arg16 : memref<16xi32, #tpu.memory_space<vmem>>) semaphore(%arg23 : memref<!tpu.dma_semaphore, #tpu.memory_space<semaphore_mem>>)
    } else {
    }
    %broadcast_in_dim3A = arith.constant 0 : i32
    %broadcast_in_dim3A_124 = vector.broadcast %broadcast_in_dim3A : i32 to vector<16xi32>
    %swap3A = arith.constant 0 : index
    %swap3A_125 = tpu.vector_load %arg18[%swap3A] {strides = array<i32>} : memref<320xi32, #tpu.memory_space<vmem>>, vector<16xi32>,
    tpu.vector_store %arg18[%swap3A], %broadcast_in_dim3A_124 {strides = array<i32>} : memref<320xi32, #tpu.memory_space<vmem>>, vector<16xi32>,
    %broadcast_in_dim3A_126 = arith.constant 0 : i32
    %broadcast_in_dim3A_127 = vector.broadcast %broadcast_in_dim3A_126 : i32 to vector<16xi32>
    %swap3A_128 = arith.constant 16 : index
    %swap3A_129 = tpu.vector_load %arg18[%swap3A_128] {strides = array<i32>} : memref<320xi32, #tpu.memory_space<vmem>>, vector<16xi32>,
    tpu.vector_store %arg18[%swap3A_128], %broadcast_in_dim3A_127 {strides = array<i32>} : memref<320xi32, #tpu.memory_space<vmem>>, vector<16xi32>,
    %broadcast_in_dim3A_130 = arith.constant 0 : i32
    %broadcast_in_dim3A_131 = vector.broadcast %broadcast_in_dim3A_130 : i32 to vector<16xi32>
    %swap3A_132 = arith.constant 32 : index
    %swap3A_133 = tpu.vector_load %arg18[%swap3A_132] {strides = array<i32>} : memref<320xi32, #tpu.memory_space<vmem>>, vector<16xi32>,
    tpu.vector_store %arg18[%swap3A_132], %broadcast_in_dim3A_131 {strides = array<i32>} : memref<320xi32, #tpu.memory_space<vmem>>, vector<16xi32>,
    %broadcast_in_dim3A_134 = arith.constant 0 : i32
    %broadcast_in_dim3A_135 = vector.broadcast %broadcast_in_dim3A_134 : i32 to vector<16xi32>
    %swap3A_136 = arith.constant 48 : index
    %swap3A_137 = tpu.vector_load %arg18[%swap3A_136] {strides = array<i32>} : memref<320xi32, #tpu.memory_space<vmem>>, vector<16xi32>,
    tpu.vector_store %arg18[%swap3A_136], %broadcast_in_dim3A_135 {strides = array<i32>} : memref<320xi32, #tpu.memory_space<vmem>>, vector<16xi32>,
    %broadcast_in_dim3A_138 = arith.constant 0 : i32
    %broadcast_in_dim3A_139 = vector.broadcast %broadcast_in_dim3A_138 : i32 to vector<16xi32>
    %swap3A_140 = arith.constant 64 : index
    %swap3A_141 = tpu.vector_load %arg18[%swap3A_140] {strides = array<i32>} : memref<320xi32, #tpu.memory_space<vmem>>, vector<16xi32>,
    tpu.vector_store %arg18[%swap3A_140], %broadcast_in_dim3A_139 {strides = array<i32>} : memref<320xi32, #tpu.memory_space<vmem>>, vector<16xi32>,
    %broadcast_in_dim3A_142 = arith.constant 0 : i32
    %broadcast_in_dim3A_143 = vector.broadcast %broadcast_in_dim3A_142 : i32 to vector<16xi32>
    %swap3A_144 = arith.constant 80 : index
    %swap3A_145 = tpu.vector_load %arg18[%swap3A_144] {strides = array<i32>} : memref<320xi32, #tpu.memory_space<vmem>>, vector<16xi32>,
    tpu.vector_store %arg18[%swap3A_144], %broadcast_in_dim3A_143 {strides = array<i32>} : memref<320xi32, #tpu.memory_space<vmem>>, vector<16xi32>,
    %broadcast_in_dim3A_146 = arith.constant 0 : i32
    %broadcast_in_dim3A_147 = vector.broadcast %broadcast_in_dim3A_146 : i32 to vector<16xi32>
    %swap3A_148 = arith.constant 96 : index
    %swap3A_149 = tpu.vector_load %arg18[%swap3A_148] {strides = array<i32>} : memref<320xi32, #tpu.memory_space<vmem>>, vector<16xi32>,
    tpu.vector_store %arg18[%swap3A_148], %broadcast_in_dim3A_147 {strides = array<i32>} : memref<320xi32, #tpu.memory_space<vmem>>, vector<16xi32>,
    %broadcast_in_dim3A_150 = arith.constant 0 : i32
    %broadcast_in_dim3A_151 = vector.broadcast %broadcast_in_dim3A_150 : i32 to vector<16xi32>
    %swap3A_152 = arith.constant 112 : index
    %swap3A_153 = tpu.vector_load %arg18[%swap3A_152] {strides = array<i32>} : memref<320xi32, #tpu.memory_space<vmem>>, vector<16xi32>,
    tpu.vector_store %arg18[%swap3A_152], %broadcast_in_dim3A_151 {strides = array<i32>} : memref<320xi32, #tpu.memory_space<vmem>>, vector<16xi32>,
    %broadcast_in_dim3A_154 = arith.constant 0 : i32
    %broadcast_in_dim3A_155 = vector.broadcast %broadcast_in_dim3A_154 : i32 to vector<16xi32>
    %swap3A_156 = arith.constant 128 : index
    %swap3A_157 = tpu.vector_load %arg18[%swap3A_156] {strides = array<i32>} : memref<320xi32, #tpu.memory_space<vmem>>, vector<16xi32>,
    tpu.vector_store %arg18[%swap3A_156], %broadcast_in_dim3A_155 {strides = array<i32>} : memref<320xi32, #tpu.memory_space<vmem>>, vector<16xi32>,
    %broadcast_in_dim3A_158 = arith.constant 0 : i32
    %broadcast_in_dim3A_159 = vector.broadcast %broadcast_in_dim3A_158 : i32 to vector<16xi32>
    %swap3A_160 = arith.constant 144 : index
    %swap3A_161 = tpu.vector_load %arg18[%swap3A_160] {strides = array<i32>} : memref<320xi32, #tpu.memory_space<vmem>>, vector<16xi32>,
    tpu.vector_store %arg18[%swap3A_160], %broadcast_in_dim3A_159 {strides = array<i32>} : memref<320xi32, #tpu.memory_space<vmem>>, vector<16xi32>,
    %broadcast_in_dim3A_162 = arith.constant 0 : i32
    %broadcast_in_dim3A_163 = vector.broadcast %broadcast_in_dim3A_162 : i32 to vector<16xi32>
    %swap3A_164 = arith.constant 160 : index
    %swap3A_165 = tpu.vector_load %arg18[%swap3A_164] {strides = array<i32>} : memref<320xi32, #tpu.memory_space<vmem>>, vector<16xi32>,
    tpu.vector_store %arg18[%swap3A_164], %broadcast_in_dim3A_163 {strides = array<i32>} : memref<320xi32, #tpu.memory_space<vmem>>, vector<16xi32>,
    %broadcast_in_dim3A_166 = arith.constant 0 : i32
    %broadcast_in_dim3A_167 = vector.broadcast %broadcast_in_dim3A_166 : i32 to vector<16xi32>
    %swap3A_168 = arith.constant 176 : index
    %swap3A_169 = tpu.vector_load %arg18[%swap3A_168] {strides = array<i32>} : memref<320xi32, #tpu.memory_space<vmem>>, vector<16xi32>,
    tpu.vector_store %arg18[%swap3A_168], %broadcast_in_dim3A_167 {strides = array<i32>} : memref<320xi32, #tpu.memory_space<vmem>>, vector<16xi32>,
    %broadcast_in_dim3A_170 = arith.constant 0 : i32
    %broadcast_in_dim3A_171 = vector.broadcast %broadcast_in_dim3A_170 : i32 to vector<16xi32>
    %swap3A_172 = arith.constant 192 : index
    %swap3A_173 = tpu.vector_load %arg18[%swap3A_172] {strides = array<i32>} : memref<320xi32, #tpu.memory_space<vmem>>, vector<16xi32>,
    tpu.vector_store %arg18[%swap3A_172], %broadcast_in_dim3A_171 {strides = array<i32>} : memref<320xi32, #tpu.memory_space<vmem>>, vector<16xi32>,
    %broadcast_in_dim3A_174 = arith.constant 0 : i32
    %broadcast_in_dim3A_175 = vector.broadcast %broadcast_in_dim3A_174 : i32 to vector<16xi32>
    %swap3A_176 = arith.constant 208 : index
    %swap3A_177 = tpu.vector_load %arg18[%swap3A_176] {strides = array<i32>} : memref<320xi32, #tpu.memory_space<vmem>>, vector<16xi32>,
    tpu.vector_store %arg18[%swap3A_176], %broadcast_in_dim3A_175 {strides = array<i32>} : memref<320xi32, #tpu.memory_space<vmem>>, vector<16xi32>,
    %broadcast_in_dim3A_178 = arith.constant 0 : i32
    %broadcast_in_dim3A_179 = vector.broadcast %broadcast_in_dim3A_178 : i32 to vector<16xi32>
    %swap3A_180 = arith.constant 224 : index
    %swap3A_181 = tpu.vector_load %arg18[%swap3A_180] {strides = array<i32>} : memref<320xi32, #tpu.memory_space<vmem>>, vector<16xi32>,
    tpu.vector_store %arg18[%swap3A_180], %broadcast_in_dim3A_179 {strides = array<i32>} : memref<320xi32, #tpu.memory_space<vmem>>, vector<16xi32>,
    %broadcast_in_dim3A_182 = arith.constant 0 : i32
    %broadcast_in_dim3A_183 = vector.broadcast %broadcast_in_dim3A_182 : i32 to vector<16xi32>
    %swap3A_184 = arith.constant 240 : index
    %swap3A_185 = tpu.vector_load %arg18[%swap3A_184] {strides = array<i32>} : memref<320xi32, #tpu.memory_space<vmem>>, vector<16xi32>,
    tpu.vector_store %arg18[%swap3A_184], %broadcast_in_dim3A_183 {strides = array<i32>} : memref<320xi32, #tpu.memory_space<vmem>>, vector<16xi32>,
    %broadcast_in_dim3A_186 = arith.constant 0 : i32
    %broadcast_in_dim3A_187 = vector.broadcast %broadcast_in_dim3A_186 : i32 to vector<16xi32>
    %swap3A_188 = arith.constant 256 : index
    %swap3A_189 = tpu.vector_load %arg18[%swap3A_188] {strides = array<i32>} : memref<320xi32, #tpu.memory_space<vmem>>, vector<16xi32>,
    tpu.vector_store %arg18[%swap3A_188], %broadcast_in_dim3A_187 {strides = array<i32>} : memref<320xi32, #tpu.memory_space<vmem>>, vector<16xi32>,
    %broadcast_in_dim3A_190 = arith.constant 0 : i32
    %broadcast_in_dim3A_191 = vector.broadcast %broadcast_in_dim3A_190 : i32 to vector<16xi32>
    %swap3A_192 = arith.constant 272 : index
    %swap3A_193 = tpu.vector_load %arg18[%swap3A_192] {strides = array<i32>} : memref<320xi32, #tpu.memory_space<vmem>>, vector<16xi32>,
    tpu.vector_store %arg18[%swap3A_192], %broadcast_in_dim3A_191 {strides = array<i32>} : memref<320xi32, #tpu.memory_space<vmem>>, vector<16xi32>,
    %broadcast_in_dim3A_194 = arith.constant 0 : i32
    %broadcast_in_dim3A_195 = vector.broadcast %broadcast_in_dim3A_194 : i32 to vector<16xi32>
    %swap3A_196 = arith.constant 288 : index
    %swap3A_197 = tpu.vector_load %arg18[%swap3A_196] {strides = array<i32>} : memref<320xi32, #tpu.memory_space<vmem>>, vector<16xi32>,
    tpu.vector_store %arg18[%swap3A_196], %broadcast_in_dim3A_195 {strides = array<i32>} : memref<320xi32, #tpu.memory_space<vmem>>, vector<16xi32>,
    %broadcast_in_dim3A_198 = arith.constant 0 : i32
    %broadcast_in_dim3A_199 = vector.broadcast %broadcast_in_dim3A_198 : i32 to vector<16xi32>
    %swap3A_200 = arith.constant 304 : index
    %swap3A_201 = tpu.vector_load %arg18[%swap3A_200] {strides = array<i32>} : memref<320xi32, #tpu.memory_space<vmem>>, vector<16xi32>,
    tpu.vector_store %arg18[%swap3A_200], %broadcast_in_dim3A_199 {strides = array<i32>} : memref<320xi32, #tpu.memory_space<vmem>>, vector<16xi32>,
    %mul3A_202 = arith.constant 312 : i32
    %mul3A_203 = arith.muli %add3A, %mul3A_202 : i32
    %dma_start3A = arith.constant 0 : i32
    %dma_start3A_204 = tpu.memref_slice %arg18[%dma_start3A] : memref<320xi32, #tpu.memory_space<vmem>> -> memref<312xi32, #tpu.memory_space<vmem>>
    %dma_start3A_205 = tpu.memref_slice %arg8[%mul3A_203] : memref<10000xi32, #tpu.memory_space<hbm>> -> memref<312xi32, #tpu.memory_space<hbm>>
    %dma_start3A_206 = tpu.memref_slice %arg8[%mul3A_203] : memref<10000xi32, #tpu.memory_space<hbm>> -> memref<312xi32, #tpu.memory_space<hbm>>
    %dma_start3A_207 = arith.constant 0 : i32
    %dma_start3A_208 = tpu.memref_slice %arg18[%dma_start3A_207] : memref<320xi32, #tpu.memory_space<vmem>> -> memref<312xi32, #tpu.memory_space<vmem>>
    tpu.enqueue_dma source(%dma_start3A_208 : memref<312xi32, #tpu.memory_space<vmem>>) target(%dma_start3A_206 : memref<312xi32, #tpu.memory_space<hbm>>) target_semaphore(%arg21 : memref<!tpu.dma_semaphore, #tpu.memory_space<semaphore_mem>>)
    %eq3A_209 = arith.constant 0 : i32
    %eq3A_210 = arith.cmpi eq, %add3A, %eq3A_209 : i32
    %convert_element_type3A_211 = arith.extui %eq3A_210 : i1 to i32
    %cond3A_212 = arith.constant 0 : i32
    %cond3A_213 = arith.cmpi ne, %convert_element_type3A_211, %cond3A_212 : i32
    scf.if %cond3A_213 {
      %dma_start3A_258 = arith.constant 0 : i32
      %dma_start3A_259 = tpu.memref_slice %arg18[%dma_start3A_258] : memref<320xi32, #tpu.memory_space<vmem>> -> memref<16xi32, #tpu.memory_space<vmem>>
      %dma_start3A_260 = arith.constant 9984 : i32
      %dma_start3A_261 = tpu.memref_slice %arg8[%dma_start3A_260] : memref<10000xi32, #tpu.memory_space<hbm>> -> memref<16xi32, #tpu.memory_space<hbm>>
      %dma_start3A_262 = arith.constant 9984 : i32
      %dma_start3A_263 = tpu.memref_slice %arg8[%dma_start3A_262] : memref<10000xi32, #tpu.memory_space<hbm>> -> memref<16xi32, #tpu.memory_space<hbm>>
      %dma_start3A_264 = arith.constant 0 : i32
      %dma_start3A_265 = tpu.memref_slice %arg18[%dma_start3A_264] : memref<320xi32, #tpu.memory_space<vmem>> -> memref<16xi32, #tpu.memory_space<vmem>>
      tpu.enqueue_dma source(%dma_start3A_265 : memref<16xi32, #tpu.memory_space<vmem>>) target(%dma_start3A_263 : memref<16xi32, #tpu.memory_space<hbm>>) target_semaphore(%arg21 : memref<!tpu.dma_semaphore, #tpu.memory_space<semaphore_mem>>)
    } else {
    }
    %add3A_214 = arith.constant 0 : i32
    %add3A_215 = arith.addi %add3A, %add3A_214 : i32
    %lt3A_216 = arith.constant 78 : i32
    %lt3A_217 = arith.cmpi slt, %add3A_215, %lt3A_216 : i32
    %convert_element_type3A_218 = arith.extui %lt3A_217 : i1 to i32
    %cond3A_219 = arith.constant 0 : i32
    %cond3A_220 = arith.cmpi ne, %convert_element_type3A_218, %cond3A_219 : i32
    scf.if %cond3A_220 {
      %dma_wait3A_258 = arith.constant 0 : i32
      %dma_wait3A_259 = arith.constant 0 : i32
      %dma_wait3A_260 = arith.constant 0 : i32
      %dma_wait3A_261 = arith.constant 0 : i32
      %dma_wait3A_262 = tpu.memref_slice %arg12[%dma_wait3A_258, %dma_wait3A_260, %dma_wait3A_261] : memref<3x128x128xf32, #tpu.memory_space<vmem>> -> memref<1x128x128xf32, #tpu.memory_space<vmem>>
      %dma_wait3A_263 = tpu.memref_squeeze %dma_wait3A_262 : memref<1x128x128xf32, #tpu.memory_space<vmem>> -> memref<128x128xf32, #tpu.memory_space<vmem>>
      %dma_wait3A_264 = arith.constant 0 : i32
      %dma_wait3A_265 = tpu.memref_slice %arg13[%dma_wait3A_259, %dma_wait3A_264] : memref<3x128xi32, #tpu.memory_space<vmem>> -> memref<1x128xi32, #tpu.memory_space<vmem>>
      %dma_wait3A_266 = tpu.memref_squeeze %dma_wait3A_265 : memref<1x128xi32, #tpu.memory_space<vmem>> -> memref<128xi32, #tpu.memory_space<vmem>>
      %dma_wait3A_267 = arith.constant 0 : i32
      %dma_wait3A_268 = arith.constant 0 : i32
      %dma_wait3A_269 = tpu.memref_slice %arg5[%dma_wait3A_267, %dma_wait3A_268] : memref<10000x128xf32, #tpu.memory_space<hbm>> -> memref<10000x128xf32, #tpu.memory_space<hbm>>
      tpu.wait_indirect_dma semaphore(%arg23 : memref<!tpu.dma_semaphore, #tpu.memory_space<semaphore_mem>>) src(%dma_wait3A_263 : memref<128x128xf32, #tpu.memory_space<vmem>>) dst(%dma_wait3A_269 : memref<10000x128xf32, #tpu.memory_space<hbm>>)
      %dma_wait3A_270 = arith.constant 0 : i32
      %dma_wait3A_271 = arith.constant 0 : i32
      %dma_wait3A_272 = arith.constant 0 : i32
      %dma_wait3A_273 = tpu.memref_slice %arg14[%dma_wait3A_270, %dma_wait3A_272] : memref<3x128xi32, #tpu.memory_space<vmem>> -> memref<1x128xi32, #tpu.memory_space<vmem>>
      %dma_wait3A_274 = tpu.memref_squeeze %dma_wait3A_273 : memref<1x128xi32, #tpu.memory_space<vmem>> -> memref<128xi32, #tpu.memory_space<vmem>>
      %dma_wait3A_275 = arith.constant 0 : i32
      %dma_wait3A_276 = tpu.memref_slice %arg13[%dma_wait3A_271, %dma_wait3A_275] : memref<3x128xi32, #tpu.memory_space<vmem>> -> memref<1x128xi32, #tpu.memory_space<vmem>>
      %dma_wait3A_277 = tpu.memref_squeeze %dma_wait3A_276 : memref<1x128xi32, #tpu.memory_space<vmem>> -> memref<128xi32, #tpu.memory_space<vmem>>
      %dma_wait3A_278 = arith.constant 0 : i32
      %dma_wait3A_279 = tpu.memref_slice %arg7[%dma_wait3A_278] : memref<10000xi32, #tpu.memory_space<hbm>> -> memref<10000xi32, #tpu.memory_space<hbm>>
      tpu.wait_indirect_dma semaphore(%arg23 : memref<!tpu.dma_semaphore, #tpu.memory_space<semaphore_mem>>) src(%dma_wait3A_274 : memref<128xi32, #tpu.memory_space<vmem>>) dst(%dma_wait3A_279 : memref<10000xi32, #tpu.memory_space<hbm>>)
    } else {
    }
    %add3A_221 = arith.constant 32 : i32
    %add3A_222 = arith.addi %add3A, %add3A_221 : i32
    %lt3A_223 = arith.constant 78 : i32
    %lt3A_224 = arith.cmpi slt, %add3A_222, %lt3A_223 : i32
    %convert_element_type3A_225 = arith.extui %lt3A_224 : i1 to i32
    %cond3A_226 = arith.constant 0 : i32
    %cond3A_227 = arith.cmpi ne, %convert_element_type3A_225, %cond3A_226 : i32
    scf.if %cond3A_227 {
      %dma_wait3A_258 = arith.constant 1 : i32
      %dma_wait3A_259 = arith.constant 1 : i32
      %dma_wait3A_260 = arith.constant 0 : i32
      %dma_wait3A_261 = arith.constant 0 : i32
      %dma_wait3A_262 = tpu.memref_slice %arg12[%dma_wait3A_258, %dma_wait3A_260, %dma_wait3A_261] : memref<3x128x128xf32, #tpu.memory_space<vmem>> -> memref<1x128x128xf32, #tpu.memory_space<vmem>>
      %dma_wait3A_263 = tpu.memref_squeeze %dma_wait3A_262 : memref<1x128x128xf32, #tpu.memory_space<vmem>> -> memref<128x128xf32, #tpu.memory_space<vmem>>
      %dma_wait3A_264 = arith.constant 0 : i32
      %dma_wait3A_265 = tpu.memref_slice %arg13[%dma_wait3A_259, %dma_wait3A_264] : memref<3x128xi32, #tpu.memory_space<vmem>> -> memref<1x128xi32, #tpu.memory_space<vmem>>
      %dma_wait3A_266 = tpu.memref_squeeze %dma_wait3A_265 : memref<1x128xi32, #tpu.memory_space<vmem>> -> memref<128xi32, #tpu.memory_space<vmem>>
      %dma_wait3A_267 = arith.constant 0 : i32
      %dma_wait3A_268 = arith.constant 0 : i32
      %dma_wait3A_269 = tpu.memref_slice %arg5[%dma_wait3A_267, %dma_wait3A_268] : memref<10000x128xf32, #tpu.memory_space<hbm>> -> memref<10000x128xf32, #tpu.memory_space<hbm>>
      tpu.wait_indirect_dma semaphore(%arg23 : memref<!tpu.dma_semaphore, #tpu.memory_space<semaphore_mem>>) src(%dma_wait3A_263 : memref<128x128xf32, #tpu.memory_space<vmem>>) dst(%dma_wait3A_269 : memref<10000x128xf32, #tpu.memory_space<hbm>>)
      %dma_wait3A_270 = arith.constant 1 : i32
      %dma_wait3A_271 = arith.constant 1 : i32
      %dma_wait3A_272 = arith.constant 0 : i32
      %dma_wait3A_273 = tpu.memref_slice %arg14[%dma_wait3A_270, %dma_wait3A_272] : memref<3x128xi32, #tpu.memory_space<vmem>> -> memref<1x128xi32, #tpu.memory_space<vmem>>
      %dma_wait3A_274 = tpu.memref_squeeze %dma_wait3A_273 : memref<1x128xi32, #tpu.memory_space<vmem>> -> memref<128xi32, #tpu.memory_space<vmem>>
      %dma_wait3A_275 = arith.constant 0 : i32
      %dma_wait3A_276 = tpu.memref_slice %arg13[%dma_wait3A_271, %dma_wait3A_275] : memref<3x128xi32, #tpu.memory_space<vmem>> -> memref<1x128xi32, #tpu.memory_space<vmem>>
      %dma_wait3A_277 = tpu.memref_squeeze %dma_wait3A_276 : memref<1x128xi32, #tpu.memory_space<vmem>> -> memref<128xi32, #tpu.memory_space<vmem>>
      %dma_wait3A_278 = arith.constant 0 : i32
      %dma_wait3A_279 = tpu.memref_slice %arg7[%dma_wait3A_278] : memref<10000xi32, #tpu.memory_space<hbm>> -> memref<10000xi32, #tpu.memory_space<hbm>>
      tpu.wait_indirect_dma semaphore(%arg23 : memref<!tpu.dma_semaphore, #tpu.memory_space<semaphore_mem>>) src(%dma_wait3A_274 : memref<128xi32, #tpu.memory_space<vmem>>) dst(%dma_wait3A_279 : memref<10000xi32, #tpu.memory_space<hbm>>)
    } else {
    }
    %add3A_228 = arith.constant 64 : i32
    %add3A_229 = arith.addi %add3A, %add3A_228 : i32
    %lt3A_230 = arith.constant 78 : i32
    %lt3A_231 = arith.cmpi slt, %add3A_229, %lt3A_230 : i32
    %convert_element_type3A_232 = arith.extui %lt3A_231 : i1 to i32
    %cond3A_233 = arith.constant 0 : i32
    %cond3A_234 = arith.cmpi ne, %convert_element_type3A_232, %cond3A_233 : i32
    scf.if %cond3A_234 {
      %dma_wait3A_258 = arith.constant 2 : i32
      %dma_wait3A_259 = arith.constant 2 : i32
      %dma_wait3A_260 = arith.constant 0 : i32
      %dma_wait3A_261 = arith.constant 0 : i32
      %dma_wait3A_262 = tpu.memref_slice %arg12[%dma_wait3A_258, %dma_wait3A_260, %dma_wait3A_261] : memref<3x128x128xf32, #tpu.memory_space<vmem>> -> memref<1x128x128xf32, #tpu.memory_space<vmem>>
      %dma_wait3A_263 = tpu.memref_squeeze %dma_wait3A_262 : memref<1x128x128xf32, #tpu.memory_space<vmem>> -> memref<128x128xf32, #tpu.memory_space<vmem>>
      %dma_wait3A_264 = arith.constant 0 : i32
      %dma_wait3A_265 = tpu.memref_slice %arg13[%dma_wait3A_259, %dma_wait3A_264] : memref<3x128xi32, #tpu.memory_space<vmem>> -> memref<1x128xi32, #tpu.memory_space<vmem>>
      %dma_wait3A_266 = tpu.memref_squeeze %dma_wait3A_265 : memref<1x128xi32, #tpu.memory_space<vmem>> -> memref<128xi32, #tpu.memory_space<vmem>>
      %dma_wait3A_267 = arith.constant 0 : i32
      %dma_wait3A_268 = arith.constant 0 : i32
      %dma_wait3A_269 = tpu.memref_slice %arg5[%dma_wait3A_267, %dma_wait3A_268] : memref<10000x128xf32, #tpu.memory_space<hbm>> -> memref<10000x128xf32, #tpu.memory_space<hbm>>
      tpu.wait_indirect_dma semaphore(%arg23 : memref<!tpu.dma_semaphore, #tpu.memory_space<semaphore_mem>>) src(%dma_wait3A_263 : memref<128x128xf32, #tpu.memory_space<vmem>>) dst(%dma_wait3A_269 : memref<10000x128xf32, #tpu.memory_space<hbm>>)
      %dma_wait3A_270 = arith.constant 2 : i32
      %dma_wait3A_271 = arith.constant 2 : i32
      %dma_wait3A_272 = arith.constant 0 : i32
      %dma_wait3A_273 = tpu.memref_slice %arg14[%dma_wait3A_270, %dma_wait3A_272] : memref<3x128xi32, #tpu.memory_space<vmem>> -> memref<1x128xi32, #tpu.memory_space<vmem>>
      %dma_wait3A_274 = tpu.memref_squeeze %dma_wait3A_273 : memref<1x128xi32, #tpu.memory_space<vmem>> -> memref<128xi32, #tpu.memory_space<vmem>>
      %dma_wait3A_275 = arith.constant 0 : i32
      %dma_wait3A_276 = tpu.memref_slice %arg13[%dma_wait3A_271, %dma_wait3A_275] : memref<3x128xi32, #tpu.memory_space<vmem>> -> memref<1x128xi32, #tpu.memory_space<vmem>>
      %dma_wait3A_277 = tpu.memref_squeeze %dma_wait3A_276 : memref<1x128xi32, #tpu.memory_space<vmem>> -> memref<128xi32, #tpu.memory_space<vmem>>
      %dma_wait3A_278 = arith.constant 0 : i32
      %dma_wait3A_279 = tpu.memref_slice %arg7[%dma_wait3A_278] : memref<10000xi32, #tpu.memory_space<hbm>> -> memref<10000xi32, #tpu.memory_space<hbm>>
      tpu.wait_indirect_dma semaphore(%arg23 : memref<!tpu.dma_semaphore, #tpu.memory_space<semaphore_mem>>) src(%dma_wait3A_274 : memref<128xi32, #tpu.memory_space<vmem>>) dst(%dma_wait3A_279 : memref<10000xi32, #tpu.memory_space<hbm>>)
    } else {
    }
    %eq3A_235 = arith.constant 14 : i32
    %eq3A_236 = arith.cmpi eq, %add3A, %eq3A_235 : i32
    %convert_element_type3A_237 = arith.extui %eq3A_236 : i1 to i32
    %cond3A_238 = arith.constant 0 : i32
    %cond3A_239 = arith.cmpi ne, %convert_element_type3A_237, %cond3A_238 : i32
    scf.if %cond3A_239 {
      %dma_wait3A_258 = arith.constant 0 : i32
      %dma_wait3A_259 = arith.constant 0 : i32
      %dma_wait3A_260 = tpu.memref_slice %arg5[%dma_wait3A_258, %dma_wait3A_259] : memref<10000x128xf32, #tpu.memory_space<hbm>> -> memref<10000x128xf32, #tpu.memory_space<hbm>>
      tpu.wait_indirect_dma semaphore(%arg23 : memref<!tpu.dma_semaphore, #tpu.memory_space<semaphore_mem>>) src(%arg15 : memref<16x128xf32, #tpu.memory_space<vmem>>) dst(%dma_wait3A_260 : memref<10000x128xf32, #tpu.memory_space<hbm>>)
      %dma_wait3A_261 = arith.constant 0 : i32
      %dma_wait3A_262 = tpu.memref_slice %arg7[%dma_wait3A_261] : memref<10000xi32, #tpu.memory_space<hbm>> -> memref<10000xi32, #tpu.memory_space<hbm>>
      tpu.wait_indirect_dma semaphore(%arg23 : memref<!tpu.dma_semaphore, #tpu.memory_space<semaphore_mem>>) src(%arg17 : memref<16xi32, #tpu.memory_space<vmem>>) dst(%dma_wait3A_262 : memref<10000xi32, #tpu.memory_space<hbm>>)
    } else {
    }
    %dma_wait3A = arith.constant 0 : i32
    %dma_wait3A_240 = tpu.memref_slice %arg18[%dma_wait3A] : memref<320xi32, #tpu.memory_space<vmem>> -> memref<312xi32, #tpu.memory_space<vmem>>
    %dma_wait3A_241 = tpu.memref_slice %arg8[%mul3A_203] : memref<10000xi32, #tpu.memory_space<hbm>> -> memref<312xi32, #tpu.memory_space<hbm>>
    %dma_wait3A_242 = tpu.memref_slice %arg8[%mul3A_203] : memref<10000xi32, #tpu.memory_space<hbm>> -> memref<312xi32, #tpu.memory_space<hbm>>
    %dma_wait3A_243 = arith.constant 0 : i32
    %dma_wait3A_244 = tpu.memref_slice %arg18[%dma_wait3A_243] : memref<320xi32, #tpu.memory_space<vmem>> -> memref<312xi32, #tpu.memory_space<vmem>>
    tpu.wait_dma2 semaphore(%arg21 : memref<!tpu.dma_semaphore, #tpu.memory_space<semaphore_mem>>) src(%dma_wait3A_244 : memref<312xi32, #tpu.memory_space<vmem>>) dst(%dma_wait3A_242 : memref<312xi32, #tpu.memory_space<hbm>>)
    %eq3A_245 = arith.constant 0 : i32
    %eq3A_246 = arith.cmpi eq, %add3A, %eq3A_245 : i32
    %convert_element_type3A_247 = arith.extui %eq3A_246 : i1 to i32
    %cond3A_248 = arith.constant 0 : i32
    %cond3A_249 = arith.cmpi ne, %convert_element_type3A_247, %cond3A_248 : i32
    scf.if %cond3A_249 {
      %dma_wait3A_258 = arith.constant 0 : i32
      %dma_wait3A_259 = tpu.memref_slice %arg18[%dma_wait3A_258] : memref<320xi32, #tpu.memory_space<vmem>> -> memref<16xi32, #tpu.memory_space<vmem>>
      %dma_wait3A_260 = arith.constant 9984 : i32
      %dma_wait3A_261 = tpu.memref_slice %arg8[%dma_wait3A_260] : memref<10000xi32, #tpu.memory_space<hbm>> -> memref<16xi32, #tpu.memory_space<hbm>>
      %dma_wait3A_262 = arith.constant 9984 : i32
      %dma_wait3A_263 = tpu.memref_slice %arg8[%dma_wait3A_262] : memref<10000xi32, #tpu.memory_space<hbm>> -> memref<16xi32, #tpu.memory_space<hbm>>
      %dma_wait3A_264 = arith.constant 0 : i32
      %dma_wait3A_265 = tpu.memref_slice %arg18[%dma_wait3A_264] : memref<320xi32, #tpu.memory_space<vmem>> -> memref<16xi32, #tpu.memory_space<vmem>>
      tpu.wait_dma2 semaphore(%arg21 : memref<!tpu.dma_semaphore, #tpu.memory_space<semaphore_mem>>) src(%dma_wait3A_265 : memref<16xi32, #tpu.memory_space<vmem>>) dst(%dma_wait3A_263 : memref<16xi32, #tpu.memory_space<hbm>>)
    } else {
    }
    %convert_element_type3A_250 = arith.extui %lt3A_1 : i1 to i32
    %cond3A_251 = arith.constant 0 : i32
    %cond3A_252 = arith.cmpi ne, %convert_element_type3A_250, %cond3A_251 : i32
    scf.if %cond3A_252 {
      %dma_wait3A_258 = arith.constant 0 : i32
      %dma_wait3A_259 = tpu.memref_slice %arg6[%dma_wait3A_258, %select_n3A] : memref<2x320000xi32, #tpu.memory_space<hbm>> -> memref<2x10112xi32, #tpu.memory_space<hbm>>
      %dma_wait3A_260 = arith.constant 0 : i32
      %dma_wait3A_261 = tpu.memref_slice %arg6[%dma_wait3A_260, %select_n3A] : memref<2x320000xi32, #tpu.memory_space<hbm>> -> memref<2x10112xi32, #tpu.memory_space<hbm>>
      tpu.wait_dma2 semaphore(%arg21 : memref<!tpu.dma_semaphore, #tpu.memory_space<semaphore_mem>>) src(%arg11 : memref<2x10112xi32, #tpu.memory_space<vmem>>) dst(%dma_wait3A_261 : memref<2x10112xi32, #tpu.memory_space<hbm>>)
    } else {
    }
    %not3A_253 = arith.constant true
    %not3A_254 = arith.xori %lt3A_1, %not3A_253 : i1
    %convert_element_type3A_255 = arith.extui %not3A_254 : i1 to i32
    %cond3A_256 = arith.constant 0 : i32
    %cond3A_257 = arith.cmpi ne, %convert_element_type3A_255, %cond3A_256 : i32
    scf.if %cond3A_257 {
      %dma_wait3A_258 = arith.constant 0 : i32
      %dma_wait3A_259 = arith.constant 0 : i32
      %dma_wait3A_260 = tpu.memref_slice %arg11[%dma_wait3A_258, %dma_wait3A_259] : memref<2x10112xi32, #tpu.memory_space<vmem>> -> memref<2x9984xi32, #tpu.memory_space<vmem>>
      %dma_wait3A_261 = arith.constant 0 : i32
      %dma_wait3A_262 = tpu.memref_slice %arg6[%dma_wait3A_261, %select_n3A] : memref<2x320000xi32, #tpu.memory_space<hbm>> -> memref<2x9984xi32, #tpu.memory_space<hbm>>
      %dma_wait3A_263 = arith.constant 0 : i32
      %dma_wait3A_264 = tpu.memref_slice %arg6[%dma_wait3A_263, %select_n3A] : memref<2x320000xi32, #tpu.memory_space<hbm>> -> memref<2x9984xi32, #tpu.memory_space<hbm>>
      %dma_wait3A_265 = arith.constant 0 : i32
      %dma_wait3A_266 = arith.constant 0 : i32
      %dma_wait3A_267 = tpu.memref_slice %arg11[%dma_wait3A_265, %dma_wait3A_266] : memref<2x10112xi32, #tpu.memory_space<vmem>> -> memref<2x9984xi32, #tpu.memory_space<vmem>>
      tpu.wait_dma2 semaphore(%arg21 : memref<!tpu.dma_semaphore, #tpu.memory_space<semaphore_mem>>) src(%dma_wait3A_267 : memref<2x9984xi32, #tpu.memory_space<vmem>>) dst(%dma_wait3A_264 : memref<2x9984xi32, #tpu.memory_space<hbm>>)
    } else {
    }
    return
  }
}

module attributes {stable_mosaic.version = 14 : i64} {
  func.func @_score_body(%arg0: i32, %arg1: memref<512x128xf32, #tpu.memory_space<vmem>>, %arg2: memref<128x8xf32, #tpu.memory_space<vmem>>, %arg3: memref<1x1xf32, #tpu.memory_space<vmem>>, %arg4: memref<1x512xf32, #tpu.memory_space<vmem>>, %arg5: memref<512x1xf32, #tpu.memory_space<vmem>>, %arg6: memref<512x128xf32, #tpu.memory_space<vmem>>, %arg7: memref<512xf32, #tpu.memory_space<vmem>>) attributes {dimension_semantics = [#tpu.dimension_semantics<arbitrary>], iteration_bounds = array<i64: 20>, scalar_prefetch = 0 : i64, scratch_operands = 0 : i64, tpu.core_type = #tpu.core_type<tc>, window_params = [{transform_indices = @transform_0, window_bounds = array<i64: 512, 128>}, {pipeline_mode = #tpu.pipeline_mode<synchronous>, transform_indices = @transform_1, window_bounds = array<i64: 128, 8>}, {pipeline_mode = #tpu.pipeline_mode<synchronous>, transform_indices = @transform_2, window_bounds = array<i64: 1, 1>}, {transform_indices = @transform_3, window_bounds = array<i64: 1, 512>}, {transform_indices = @transform_4, window_bounds = array<i64: 512, 1>}, {transform_indices = @transform_5, window_bounds = array<i64: 512, 128>}, {transform_indices = @transform_6, window_bounds = array<i64: 512>}]} {
    %get3A = arith.constant 0 : index
    %get3A_0 = arith.constant 0 : index
    %get3A_1 = vector.load %arg1[%get3A, %get3A_0] : memref<512x128xf32, #tpu.memory_space<vmem>>, vector<512x128xf32>
    %get3A_2 = arith.constant 0 : index
    %get3A_3 = arith.constant 0 : index
    %get3A_4 = vector.load %arg2[%get3A_2, %get3A_3] : memref<128x8xf32, #tpu.memory_space<vmem>>, vector<128x8xf32>
    %dot_general3A = arith.constant dense<0.000000e+00> : vector<512x8xf32>
    %dot_general3A_5 = tpu.matmul %get3A_1, %get3A_4, %dot_general3A {dimension_numbers = #tpu.dot_dimension_numbers<[1], [0], [0], [1], [0, 0, 1, 1], [], []>, transpose_lhs_hint = false} : vector<512x128xf32>, vector<128x8xf32>, vector<512x8xf32> -> vector<512x8xf32>
    %get3A_6 = arith.constant 0 : index
    %get3A_7 = arith.constant 0 : index
    %get3A_8 = vector.load %arg3[%get3A_6, %get3A_7] : memref<1x1xf32, #tpu.memory_space<vmem>>, vector<1x1xf32>
    %get3A_9 = vector.extract %get3A_8[0, 0] : f32 from vector<1x1xf32>
    %add3A = vector.broadcast %get3A_9 : f32 to vector<512x8xf32>
    %add3A_10 = arith.addf %dot_general3A_5, %add3A : vector<512x8xf32>
    %slice3A = vector.extract_strided_slice %add3A_10 {offsets = [0, 0], sizes = [512, 1], strides = [1, 1]} : vector<512x8xf32> to vector<512x1xf32>
    %tanh3A = math.tanh %slice3A : vector<512x1xf32>
    %mul3A = arith.constant 512 : i32
    %mul3A_11 = arith.muli %arg0, %mul3A : i32
    %iota3A = tpu.iota {dimensions = array<i32: 0>} : vector<512x1xi32>
    %add3A_12 = vector.broadcast %mul3A_11 : i32 to vector<512x1xi32>
    %add3A_13 = arith.addi %add3A_12, %iota3A : vector<512x1xi32>
    %ge3A = arith.constant 10000 : i32
    %ge3A_14 = vector.broadcast %ge3A : i32 to vector<512x1xi32>
    %ge3A_15 = arith.cmpi sge, %add3A_13, %ge3A_14 : vector<512x1xi32>
    %jit3A = arith.constant -2.000000e+00 : f32
    %broadcast_in_dim3A = vector.broadcast %jit3A : f32 to vector<512x1xf32>
    %select_n3A = arith.select %ge3A_15, %broadcast_in_dim3A, %tanh3A : vector<512x1xi1>, vector<512x1xf32>
    %swap3A = arith.constant 0 : index
    %swap3A_16 = arith.constant 0 : index
    %swap3A_17 = vector.load %arg5[%swap3A, %swap3A_16] : memref<512x1xf32, #tpu.memory_space<vmem>>, vector<512x1xf32>
    tpu.vector_store %arg5[%swap3A, %swap3A_16], %select_n3A {strides = array<i32>} : memref<512x1xf32, #tpu.memory_space<vmem>>, vector<512x1xf32>,
    %reshape3A = vector.shape_cast %select_n3A : vector<512x1xf32> to vector<1x512xf32>
    %swap3A_18 = arith.constant 0 : index
    %swap3A_19 = arith.constant 0 : index
    %swap3A_20 = vector.load %arg4[%swap3A_18, %swap3A_19] : memref<1x512xf32, #tpu.memory_space<vmem>>, vector<1x512xf32>
    tpu.vector_store %arg4[%swap3A_18, %swap3A_19], %reshape3A {strides = array<i32>} : memref<1x512xf32, #tpu.memory_space<vmem>>, vector<1x512xf32>,
    %reshape3A_21 = vector.shape_cast %select_n3A : vector<512x1xf32> to vector<512xf32>
    %swap3A_22 = arith.constant 0 : index
    %swap3A_23 = vector.load %arg7[%swap3A_22] : memref<512xf32, #tpu.memory_space<vmem>>, vector<512xf32>
    tpu.vector_store %arg7[%swap3A_22], %reshape3A_21 {strides = array<i32>} : memref<512xf32, #tpu.memory_space<vmem>>, vector<512xf32>,
    %mul3A_24 = vector.broadcast %select_n3A : vector<512x1xf32> to vector<512x128xf32>
    %mul3A_25 = arith.mulf %get3A_1, %mul3A_24 : vector<512x128xf32>
    %swap3A_26 = arith.constant 0 : index
    %swap3A_27 = arith.constant 0 : index
    %swap3A_28 = vector.load %arg6[%swap3A_26, %swap3A_27] : memref<512x128xf32, #tpu.memory_space<vmem>>, vector<512x128xf32>
    tpu.vector_store %arg6[%swap3A_26, %swap3A_27], %mul3A_25 {strides = array<i32>} : memref<512x128xf32, #tpu.memory_space<vmem>>, vector<512x128xf32>,
    return
  }
  func.func @transform_0(%arg0: i32) -> (i32, i32) {
    %c0_i32 = arith.constant 0 : i32
    %c0_i32_0 = arith.constant 0 : i32
    return %arg0, %c0_i32 : i32, i32
  }
  func.func @transform_1(%arg0: i32) -> (i32, i32) {
    %c0_i32 = arith.constant 0 : i32
    %c0_i32_0 = arith.constant 0 : i32
    %c0_i32_1 = arith.constant 0 : i32
    return %c0_i32, %c0_i32_0 : i32, i32
  }
  func.func @transform_2(%arg0: i32) -> (i32, i32) {
    %c0_i32 = arith.constant 0 : i32
    %c0_i32_0 = arith.constant 0 : i32
    %c0_i32_1 = arith.constant 0 : i32
    return %c0_i32, %c0_i32_0 : i32, i32
  }
  func.func @transform_3(%arg0: i32) -> (i32, i32) {
    %c0_i32 = arith.constant 0 : i32
    %c0_i32_0 = arith.constant 0 : i32
    return %c0_i32, %arg0 : i32, i32
  }
  func.func @transform_4(%arg0: i32) -> (i32, i32) {
    %c0_i32 = arith.constant 0 : i32
    %c0_i32_0 = arith.constant 0 : i32
    return %arg0, %c0_i32 : i32, i32
  }
  func.func @transform_5(%arg0: i32) -> (i32, i32) {
    %c0_i32 = arith.constant 0 : i32
    %c0_i32_0 = arith.constant 0 : i32
    return %arg0, %c0_i32 : i32, i32
  }
  func.func @transform_6(%arg0: i32) -> i32 {
    %c0_i32 = arith.constant 0 : i32
    return %arg0 : i32
  }
}

module attributes {stable_mosaic.version = 14 : i64} {
  func.func @_rank_body(%arg0: i32, %arg1: i32, %arg2: memref<1x2048xf32, #tpu.memory_space<vmem>>, %arg3: memref<2048x1xf32, #tpu.memory_space<vmem>>, %arg4: memref<1x2048xi32, #tpu.memory_space<vmem>>, %arg5: memref<2048xi32, #tpu.memory_space<vmem>>, %arg6: memref<8x2048xi32, #tpu.memory_space<vmem>>) attributes {dimension_semantics = [#tpu.dimension_semantics<arbitrary>, #tpu.dimension_semantics<arbitrary>], iteration_bounds = array<i64: 5, 5>, scalar_prefetch = 0 : i64, scratch_operands = 1 : i64, tpu.core_type = #tpu.core_type<tc>, window_params = [{transform_indices = @transform_0, window_bounds = array<i64: 1, 2048>}, {transform_indices = @transform_1, window_bounds = array<i64: 2048, 1>}, {transform_indices = @transform_2, window_bounds = array<i64: 1, 2048>}, {transform_indices = @transform_3, window_bounds = array<i64: 2048>}]} {
    %get3A = arith.constant 0 : index
    %get3A_0 = arith.constant 0 : index
    %get3A_1 = vector.load %arg2[%get3A, %get3A_0] : memref<1x2048xf32, #tpu.memory_space<vmem>>, vector<1x2048xf32>
    %get3A_2 = arith.constant 0 : index
    %get3A_3 = arith.constant 0 : index
    %get3A_4 = vector.load %arg3[%get3A_2, %get3A_3] : memref<2048x1xf32, #tpu.memory_space<vmem>>, vector<2048x1xf32>
    %mul3A = arith.constant 2048 : i32
    %mul3A_5 = arith.muli %arg0, %mul3A : i32
    %mul3A_6 = arith.constant 2048 : i32
    %mul3A_7 = arith.muli %arg1, %mul3A_6 : i32
    %add3A = arith.constant 2048 : i32
    %add3A_8 = arith.addi %mul3A_7, %add3A : i32
    %sub3A = arith.constant 1 : i32
    %sub3A_9 = arith.subi %add3A_8, %sub3A : i32
    %lt3A = arith.cmpi slt, %sub3A_9, %mul3A_5 : i32
    %add3A_10 = arith.constant 2048 : i32
    %add3A_11 = arith.addi %mul3A_5, %add3A_10 : i32
    %sub3A_12 = arith.constant 1 : i32
    %sub3A_13 = arith.subi %add3A_11, %sub3A_12 : i32
    %gt3A = arith.cmpi sgt, %mul3A_7, %sub3A_13 : i32
    %eq3A = arith.constant 0 : i32
    %eq3A_14 = arith.cmpi eq, %arg1, %eq3A : i32
    %convert_element_type3A = arith.extui %eq3A_14 : i1 to i32
    %cond3A = arith.constant 0 : i32
    %cond3A_15 = arith.cmpi ne, %convert_element_type3A, %cond3A : i32
    scf.if %cond3A_15 {
      %broadcast_in_dim3A = arith.constant 0 : i32
      %broadcast_in_dim3A_31 = vector.broadcast %broadcast_in_dim3A : i32 to vector<8x2048xi32>
      %swap3A = arith.constant 0 : index
      %swap3A_32 = arith.constant 0 : index
      %swap3A_33 = vector.load %arg6[%swap3A, %swap3A_32] : memref<8x2048xi32, #tpu.memory_space<vmem>>, vector<8x2048xi32>
      tpu.vector_store %arg6[%swap3A, %swap3A_32], %broadcast_in_dim3A_31 {strides = array<i32>} : memref<8x2048xi32, #tpu.memory_space<vmem>>, vector<8x2048xi32>,
    } else {
    }
    %convert_element_type3A_16 = arith.extui %lt3A : i1 to i32
    %cond3A_17 = arith.constant 0 : i32
    %cond3A_18 = arith.cmpi ne, %convert_element_type3A_16, %cond3A_17 : i32
    scf.if %cond3A_18 {
      %get3A_31 = arith.constant 0 : index
      %get3A_32 = arith.constant 0 : index
      %get3A_33 = vector.load %arg6[%get3A_31, %get3A_32] : memref<8x2048xi32, #tpu.memory_space<vmem>>, vector<8x2048xi32>
      %ge3A = vector.broadcast %get3A_4 : vector<2048x1xf32> to vector<2048x2048xf32>
      %ge3A_34 = vector.broadcast %get3A_1 : vector<1x2048xf32> to vector<2048x2048xf32>
      %ge3A_35 = arith.cmpf oge, %ge3A, %ge3A_34 : vector<2048x2048xf32>
      %convert_element_type3A_36 = arith.extui %ge3A_35 : vector<2048x2048xi1> to vector<2048x2048xi32>
      %reshape3A = vector.shape_cast %convert_element_type3A_36 : vector<2048x2048xi32> to vector<256x8x2048xi32>
      %reduce_sum3A = arith.constant dense<0> : vector<8x2048xi32>
      %reduce_sum3A_37 = vector.multi_reduction <add>, %reshape3A, %reduce_sum3A [0] : vector<256x8x2048xi32> to vector<8x2048xi32>
      %add3A_38 = arith.addi %get3A_33, %reduce_sum3A_37 : vector<8x2048xi32>
      %swap3A = arith.constant 0 : index
      %swap3A_39 = arith.constant 0 : index
      %swap3A_40 = vector.load %arg6[%swap3A, %swap3A_39] : memref<8x2048xi32, #tpu.memory_space<vmem>>, vector<8x2048xi32>
      tpu.vector_store %arg6[%swap3A, %swap3A_39], %add3A_38 {strides = array<i32>} : memref<8x2048xi32, #tpu.memory_space<vmem>>, vector<8x2048xi32>,
    } else {
    }
    %convert_element_type3A_19 = arith.extui %gt3A : i1 to i32
    %cond3A_20 = arith.constant 0 : i32
    %cond3A_21 = arith.cmpi ne, %convert_element_type3A_19, %cond3A_20 : i32
    scf.if %cond3A_21 {
      %get3A_31 = arith.constant 0 : index
      %get3A_32 = arith.constant 0 : index
      %get3A_33 = vector.load %arg6[%get3A_31, %get3A_32] : memref<8x2048xi32, #tpu.memory_space<vmem>>, vector<8x2048xi32>
      %gt3A_34 = vector.broadcast %get3A_4 : vector<2048x1xf32> to vector<2048x2048xf32>
      %gt3A_35 = vector.broadcast %get3A_1 : vector<1x2048xf32> to vector<2048x2048xf32>
      %gt3A_36 = arith.cmpf ogt, %gt3A_34, %gt3A_35 : vector<2048x2048xf32>
      %convert_element_type3A_37 = arith.extui %gt3A_36 : vector<2048x2048xi1> to vector<2048x2048xi32>
      %reshape3A = vector.shape_cast %convert_element_type3A_37 : vector<2048x2048xi32> to vector<256x8x2048xi32>
      %reduce_sum3A = arith.constant dense<0> : vector<8x2048xi32>
      %reduce_sum3A_38 = vector.multi_reduction <add>, %reshape3A, %reduce_sum3A [0] : vector<256x8x2048xi32> to vector<8x2048xi32>
      %add3A_39 = arith.addi %get3A_33, %reduce_sum3A_38 : vector<8x2048xi32>
      %swap3A = arith.constant 0 : index
      %swap3A_40 = arith.constant 0 : index
      %swap3A_41 = vector.load %arg6[%swap3A, %swap3A_40] : memref<8x2048xi32, #tpu.memory_space<vmem>>, vector<8x2048xi32>
      tpu.vector_store %arg6[%swap3A, %swap3A_40], %add3A_39 {strides = array<i32>} : memref<8x2048xi32, #tpu.memory_space<vmem>>, vector<8x2048xi32>,
    } else {
    }
    %or3A = arith.ori %lt3A, %gt3A : i1
    %not3A = arith.constant true
    %not3A_22 = arith.xori %or3A, %not3A : i1
    %convert_element_type3A_23 = arith.extui %not3A_22 : i1 to i32
    %cond3A_24 = arith.constant 0 : i32
    %cond3A_25 = arith.cmpi ne, %convert_element_type3A_23, %cond3A_24 : i32
    scf.if %cond3A_25 {
      %iota3A = tpu.iota {dimensions = array<i32: 1>} : vector<2048x2048xi32>
      %add3A_31 = vector.broadcast %mul3A_5 : i32 to vector<2048x2048xi32>
      %add3A_32 = arith.addi %add3A_31, %iota3A : vector<2048x2048xi32>
      %iota3A_33 = tpu.iota {dimensions = array<i32: 0>} : vector<2048x2048xi32>
      %add3A_34 = vector.broadcast %mul3A_7 : i32 to vector<2048x2048xi32>
      %add3A_35 = arith.addi %add3A_34, %iota3A_33 : vector<2048x2048xi32>
      %get3A_36 = arith.constant 0 : index
      %get3A_37 = arith.constant 0 : index
      %get3A_38 = vector.load %arg6[%get3A_36, %get3A_37] : memref<8x2048xi32, #tpu.memory_space<vmem>>, vector<8x2048xi32>
      %gt3A_39 = vector.broadcast %get3A_4 : vector<2048x1xf32> to vector<2048x2048xf32>
      %gt3A_40 = vector.broadcast %get3A_1 : vector<1x2048xf32> to vector<2048x2048xf32>
      %gt3A_41 = arith.cmpf ogt, %gt3A_39, %gt3A_40 : vector<2048x2048xf32>
      %eq3A_42 = vector.broadcast %get3A_4 : vector<2048x1xf32> to vector<2048x2048xf32>
      %eq3A_43 = vector.broadcast %get3A_1 : vector<1x2048xf32> to vector<2048x2048xf32>
      %eq3A_44 = arith.cmpf oeq, %eq3A_42, %eq3A_43 : vector<2048x2048xf32>
      %lt3A_45 = arith.cmpi slt, %add3A_35, %add3A_32 : vector<2048x2048xi32>
      %and3A = arith.andi %eq3A_44, %lt3A_45 : vector<2048x2048xi1>
      %or3A_46 = arith.ori %gt3A_41, %and3A : vector<2048x2048xi1>
      %convert_element_type3A_47 = arith.extui %or3A_46 : vector<2048x2048xi1> to vector<2048x2048xi32>
      %reshape3A = vector.shape_cast %convert_element_type3A_47 : vector<2048x2048xi32> to vector<256x8x2048xi32>
      %reduce_sum3A = arith.constant dense<0> : vector<8x2048xi32>
      %reduce_sum3A_48 = vector.multi_reduction <add>, %reshape3A, %reduce_sum3A [0] : vector<256x8x2048xi32> to vector<8x2048xi32>
      %add3A_49 = arith.addi %get3A_38, %reduce_sum3A_48 : vector<8x2048xi32>
      %swap3A = arith.constant 0 : index
      %swap3A_50 = arith.constant 0 : index
      %swap3A_51 = vector.load %arg6[%swap3A, %swap3A_50] : memref<8x2048xi32, #tpu.memory_space<vmem>>, vector<8x2048xi32>
      tpu.vector_store %arg6[%swap3A, %swap3A_50], %add3A_49 {strides = array<i32>} : memref<8x2048xi32, #tpu.memory_space<vmem>>, vector<8x2048xi32>,
    } else {
    }
    %eq3A_26 = arith.constant 4 : i32
    %eq3A_27 = arith.cmpi eq, %arg1, %eq3A_26 : i32
    %convert_element_type3A_28 = arith.extui %eq3A_27 : i1 to i32
    %cond3A_29 = arith.constant 0 : i32
    %cond3A_30 = arith.cmpi ne, %convert_element_type3A_28, %cond3A_29 : i32
    scf.if %cond3A_30 {
      %get3A_31 = arith.constant 0 : index
      %get3A_32 = arith.constant 0 : index
      %get3A_33 = vector.load %arg6[%get3A_31, %get3A_32] : memref<8x2048xi32, #tpu.memory_space<vmem>>, vector<8x2048xi32>
      %reduce_sum3A = arith.constant dense<0> : vector<2048xi32>
      %reduce_sum3A_34 = vector.multi_reduction <add>, %get3A_33, %reduce_sum3A [0] : vector<8x2048xi32> to vector<2048xi32>
      %broadcast_in_dim3A = vector.shape_cast %reduce_sum3A_34 : vector<2048xi32> to vector<1x2048xi32>
      %swap3A = arith.constant 0 : index
      %swap3A_35 = arith.constant 0 : index
      %swap3A_36 = vector.load %arg4[%swap3A, %swap3A_35] : memref<1x2048xi32, #tpu.memory_space<vmem>>, vector<1x2048xi32>
      tpu.vector_store %arg4[%swap3A, %swap3A_35], %broadcast_in_dim3A {strides = array<i32>} : memref<1x2048xi32, #tpu.memory_space<vmem>>, vector<1x2048xi32>,
      %reshape3A = vector.shape_cast %broadcast_in_dim3A : vector<1x2048xi32> to vector<2048xi32>
      %swap3A_37 = arith.constant 0 : index
      %swap3A_38 = vector.load %arg5[%swap3A_37] : memref<2048xi32, #tpu.memory_space<vmem>>, vector<2048xi32>
      tpu.vector_store %arg5[%swap3A_37], %reshape3A {strides = array<i32>} : memref<2048xi32, #tpu.memory_space<vmem>>, vector<2048xi32>,
    } else {
    }
    return
  }
  func.func @transform_0(%arg0: i32, %arg1: i32) -> (i32, i32) {
    %c0_i32 = arith.constant 0 : i32
    %c0_i32_0 = arith.constant 0 : i32
    return %c0_i32, %arg0 : i32, i32
  }
  func.func @transform_1(%arg0: i32, %arg1: i32) -> (i32, i32) {
    %c0_i32 = arith.constant 0 : i32
    %c0_i32_0 = arith.constant 0 : i32
    return %arg1, %c0_i32 : i32, i32
  }
  func.func @transform_2(%arg0: i32, %arg1: i32) -> (i32, i32) {
    %c0_i32 = arith.constant 0 : i32
    %c0_i32_0 = arith.constant 0 : i32
    return %c0_i32, %arg0 : i32, i32
  }
  func.func @transform_3(%arg0: i32, %arg1: i32) -> i32 {
    %c0_i32 = arith.constant 0 : i32
    return %arg0 : i32
  }
}

</mosaic_0001>

<sc_bundles>
// kernel: kernel.5.cloned.1.call-start
scs
__scs_entry_jumppad:
0x0: {  	(pc) =	sbr.rel $0x88, $3  }
0x1: {  	(tag) =	ssettag $0x0;
	lr =	simm.s32 $0x1  }
0x2: {  	[smem:$0x3F9C] =	sst lr;
	_ =	strace $0xD0000000  }
0x3: {  	_ = 	snop  }
0x4: {  	_ = 	snop  }
0x5: {  	_ = 	snop  }
0x6: {  	_ = 	snop  }
0x7: {  	_ = 	snop  }
__scs_overlays_trampoline_lowered:
0x8: {  	[smem:$0x3FAB] =	sst s0  }
0x9: {  	[smem:$0x3FAC] =	sst s1  }
0xa: {  	[smem:$0x3FAD] =	sst s2  }
0xb: {  	[smem:$0x3FAE] =	sst s3  }
0xc: {  	[smem:$0x3FAF] =	sst s4  }
0xd: {  	[smem:$0x3FB0] =	sst s5  }
0xe: {  	[smem:$0x3FB1] =	sst s6  }
0xf: {  	[smem:$0x3FB2] =	sst s7  }
0x10: {  	[smem:$0x3FB3] =	sst s8  }
0x11: {  	[smem:$0x3FB4] =	sst s9;
	s0 =	simm.s32 @!p0 $0x0  }
0x12: {  	s1 =	sld [smem:$0x3F9A];
	s0 =	simm.s32 @p0 $0x1  }
0x13: {  	[smem:$0x3FB5] =	sst s0;
	s0 =	simm.s32 @!p1 $0x0  }
0x14: {  	s2 =	sld [smem:$0x3F99];
	s0 =	simm.s32 @p1 $0x1  }
0x15: {  	[smem:$0x3FB6] =	sst s0;
	s0 =	simm.s32 @!p2 $0x0  }
0x16: {  	s3 =	sld [smem:$0x3FDB];
	s0 =	simm.s32 @p2 $0x1  }
0x17: {  	s4 =	simm.s32 $0x1BF5;
	[smem:$0x3FB8] =	sst s0  }
0x18: {  	s0 =	sld [smem:$0x3F9B];
	_ =	swait.ge [sflag:s4], $0x0  }
0x19: {  	s7 =	sld [smem:$0x3F9C]  }
0x1a: {  	s8 =	sadd.s32 $0xFFFFE003, lr  }
0x1b: {  	s9 =	sadd.s32 $0xFFFFFEF7, lr;
	s5 =	simm.s32 $0xFFFFFFFF;
	p2 =	slt.u32 s8, $0xFFFFF086  }
0x1c: {  	p1 =	slt.u32 s9, $0xF7A;
	s5 =	simm.s32 @!p2 $0x0  }
0x1d: {  	s5 =	simm.s32 @p1 $0x1;
	p0 =	seq.s32 s7, s2  }
0x1e: {  	s7 =	smul.u32 @!p0 $0xF7A, s2;
	p2 =	seq.s32 @!p0 s5, $0x0  }
0x1f: {  	s9 =	smul.u32 $0xF7A, s1;
	s8 =	simm.s32 @!p0 $0x1BF5;
	p2 =	por !p2, p0  }
0x20: {  	[sflag:s8] =	ssyncset.s32 @!p0 $0xFFFFF086;
	s6 =	sadd.s32 @!p0 s3, s7;
	s7 =	simm.s32 @!p0 $0x108  }
0x21: {  	s3 =	sadd.s32 s3, s9;
	s6 =	sadd.s32 @!p0 $0x88, s6;
	s7 =	simm.s32 @p2 $0x1082  }
0x22: {  	[simem:s7], [sflag:s8] =	dma.local @!p0 [hbm:s6], $0xF7A  }
0x23: {  	s9 =	sor.u32 $0xD0000000, s2;
	s6 =	simm.s32 $0x108;
	_ =	swait.ge @!p0 [sflag:s8], $0x0  }
0x24: {  	s3 =	sadd.s32 $0x88, s3;
	s6 =	simm.s32 @!p1 $0x1082;
	[sflag:s4] =	ssyncset.s32 $0xFFFFF086  }
0x25: {  	[simem:s6], [sflag:s4] =	dma.local [hbm:s3], $0xF7A  }
0x26: {  	[smem:$0x3F9C] =	sst s1;
	(tag) =	ssettag s2;
	_ =	strace s9  }
0x27: {  	s1 =	sld [smem:$0x3FAC]  }
0x28: {  	s2 =	sld [smem:$0x3FAD]  }
0x29: {  	s4 =	sld [smem:$0x3FAF]  }
0x2a: {  	p0 =	seq.s32 s5, $0x0;
	s5 =	sld [smem:$0x3FB0]  }
0x2b: {  	s6 =	sld [smem:$0x3FB1]  }
0x2c: {  	s7 =	sld [smem:$0x3FB2]  }
0x2d: {  	s3 =	simm.s32 $0x108;
	s8 =	sld [smem:$0x3FB3]  }
0x2e: {  	s3 =	simm.s32 @!p0 $0x1082;
	s9 =	sld [smem:$0x3FB4]  }
0x2f: {  	lr =	sadd.s32 s0, s3;
	s0 =	sld [smem:$0x3FAB]  }
0x30: {  	s3 =	sld [smem:$0x3FAE]  }
0x31: {  	[smem:$0x3FB7] =	sst s10  }
0x32: {  	s10 =	sld [smem:$0x3FB5];
	_ =	sdelay $0x3  }
0x33: {  	p0 =	seq.s32 s10, $0x1;
	s10 =	sld [smem:$0x3FB7];
	_ =	sdelay $0x3  }
0x34: {  	[smem:$0x3FB7] =	sst s10  }
0x35: {  	s10 =	sld [smem:$0x3FB6];
	_ =	sdelay $0x3  }
0x36: {  	p1 =	seq.s32 s10, $0x1;
	s10 =	sld [smem:$0x3FB7];
	_ =	sdelay $0x3  }
0x37: {  	[smem:$0x3FB7] =	sst s10  }
0x38: {  	s10 =	sld [smem:$0x3FB8]  }
0x39: {  	_ = 	snop;
	(pc) =	sbr.ind lr, $3  }
0x3a: {  	_ = 	snop  }
0x3b: {  	_ = 	snop  }
0x3c: {  	p2 =	seq.s32 s10, $0x1;
	s10 =	sld [smem:$0x3FB7]  }
0x3d: {  	_ =	shalt  }
0x3e: {  	_ =	shalt  }
0x3f: {  	_ =	shalt  }
0x40: {  	_ =	shalt  }
0x41: {  	_ =	shalt  }
0x42: {  	_ =	shalt  }
0x43: {  	_ =	shalt  }
0x44: {  	_ =	shalt  }
0x45: {  	_ =	shalt  }
0x46: {  	_ =	shalt  }
0x47: {  	_ =	shalt  }
0x48: {  	_ =	shalt  }
0x49: {  	_ =	shalt  }
0x4a: {  	_ =	shalt  }
0x4b: {  	_ =	shalt  }
0x4c: {  	_ =	shalt  }
0x4d: {  	_ =	shalt  }
0x4e: {  	_ =	shalt  }
0x4f: {  	_ =	shalt  }
0x50: {  	_ =	shalt  }
0x51: {  	_ =	shalt  }
0x52: {  	_ =	shalt  }
0x53: {  	_ =	shalt  }
0x54: {  	_ =	shalt  }
0x55: {  	_ =	shalt  }
0x56: {  	_ =	shalt  }
0x57: {  	_ =	shalt  }
0x58: {  	_ =	shalt  }
0x59: {  	_ =	shalt  }
0x5a: {  	_ =	shalt  }
0x5b: {  	_ =	shalt  }
0x5c: {  	_ =	shalt  }
0x5d: {  	_ =	shalt  }
0x5e: {  	_ =	shalt  }
0x5f: {  	_ =	shalt  }
0x60: {  	_ =	shalt  }
0x61: {  	_ =	shalt  }
0x62: {  	_ =	shalt  }
0x63: {  	_ =	shalt  }
0x64: {  	_ =	shalt  }
0x65: {  	_ =	shalt  }
0x66: {  	_ =	shalt  }
0x67: {  	_ =	shalt  }
0x68: {  	_ =	shalt  }
0x69: {  	_ =	shalt  }
0x6a: {  	_ =	shalt  }
0x6b: {  	_ =	shalt  }
0x6c: {  	_ =	shalt  }
0x6d: {  	_ =	shalt  }
0x6e: {  	_ =	shalt  }
0x6f: {  	_ =	shalt  }
0x70: {  	_ =	shalt  }
0x71: {  	_ =	shalt  }
0x72: {  	_ =	shalt  }
0x73: {  	_ =	shalt  }
0x74: {  	_ =	shalt  }
0x75: {  	_ =	shalt  }
0x76: {  	_ =	shalt  }
0x77: {  	_ =	shalt  }
0x78: {  	_ =	shalt  }
0x79: {  	_ =	shalt  }
0x7a: {  	_ =	shalt  }
0x7b: {  	_ =	shalt  }
0x7c: {  	_ =	shalt  }
0x7d: {  	_ =	shalt  }
0x7e: {  	_ =	shalt  }
0x7f: {  	_ =	shalt  }
0x80: {  	_ =	shalt  }
0x81: {  	_ =	shalt  }
0x82: {  	_ =	shalt  }
0x83: {  	_ =	shalt  }
0x84: {  	_ =	shalt  }
0x85: {  	_ =	shalt  }
0x86: {  	_ =	shalt  }
0x87: {  	_ =	shalt  }
.Lfunc_end0:
.L_simem_size_0:
called_computation_lowered:
.L_overlay_start_0:
0x88: {  	s2 =	sld [smem:$0x3FD9]  }
0x89: {  	s3 =	sld [smem:$0x3FFE];
	_ =	sdelay $0x1  }
0x8a: {  	s1 =	srdreg.scid  }
0x8b: {  	s0 =	sand.u32 $0x1, s1  }
0x8c: {  	s14 =	sshll.u32 s0, $0xA;
	s2 =	sadd.s32 s3, s2  }
0x8d: {  	s2 =	sadd.s32 s2, s14  }
0x8e: {  	[smem:$0x3FC3] =	sst s2  }
0x8f: {  	_ = 	snop  }
0x90: {  	s2 =	sld [smem:$0x3FD0];
	_ =	sdelay $0x2  }
0x91: {  	s4 =	simm.s32 $0xA;
	s5 =	simm.s32 $0x10;
	s15 =	sld [smem:$0x3FC8]  }
0x92: {  	[smem:s5], [sflag:s4] =	dma.local [hbm:s2], $0x1  }
0x93: {  	_ =	swait.eq [sflag:s4], $0x1  }
0x94: {  	s16 =	sld [smem:$0x10]  }
0x95: {  	s17 =	sld [smem:$0x11]  }
0x96: {  	s6 =	sld [smem:$0x12];
	[sflag:s4] =	ssyncset.done $0x0  }
0x97: {  	s7 =	sld [smem:$0x13];
	[sflag:s4] =	ssyncadd.s32 $0xFFFFFFFF  }
0x98: {  	s18 =	sld [smem:$0x14];
	(tm) =	ssettm $0x1  }
0x99: {  	s8 =	sld [smem:$0x3FFB];
	_ =	sdelay $0x3  }
0x9a: {  	_ =	strace s8  }
0x9b: {  	s8 =	sld [smem:$0x3FFC];
	_ =	sdelay $0x3  }
0x9c: {  	_ =	strace s8  }
0x9d: {  	s8 =	sld [smem:$0x3FFD];
	_ =	sdelay $0x3  }
0x9e: {  	_ =	strace s8  }
0x9f: {  	_ =	strace $0x8FFFFFFF  }
0xa0: {  	s19 =	sld [smem:$0x3FDB];
	_ =	sdelay $0x1  }
0xa1: {  	s9 =	simm.s32 $_scs_section_size  }
0xa2: {  	s10 =	simm.s32 $_size__tile_overlayer_lowered;
	s11 =	simm.s32 $_tile_overlayer_lowered  }
0xa3: {  	s22 =	simm.s32 $0x1BFF;
	s21 =	sshll.u32 s11, $0x1;
	s8 =	sadd.s32 s9, s19  }
0xa4: {  	s12 =	simm.s32 $0x0;
	s20 =	sshll.u32 s10, $0x1;
	s10 =	sadd.s32 s21, s8  }
0xa5: {  	[timem:s12], [sflag:s22] =	dma.local [hbm:s10], s20  }
0xa6: {  	_ =	swait.ge [sflag:s22], s20  }
0xa7: {  	s9 =	ssub.s32 $0x0, s20;
	[sflag:s22] =	ssyncset.done $0x0  }
0xa8: {  	[sflag:s22] =	ssyncadd.s32 s9;
	_ =	sdelay $0x1  }
0xa9: {  	s23 =	simm.s32 $0x1B8B  }
0xaa: {  	_ =	swait.ge [sflag:s23], $0x1  }
0xab: {  	[sflag:s23] =	ssyncset.done $0x0  }
0xac: {  	s25 =	simm.s32 $0x1B8E;
	s24 =	sld [smem:$0x3FFE];
	[sflag:s23] =	ssyncadd.s32 $0xFFFFFFFF  }
0xad: {  	s26 =	simm.s32 $execute0_lowered;
	[smem:$0x3FD2] =	sst s25  }
0xae: {  	s10 =	sshll.u32 s26, $0x1;
	_ =	strace $0x80000046;
	[dreg:$0x1] =	wrdreg $0xFFFFFFFF  }
0xaf: {  	s28 =	simm.s32 $_size_execute0_lowered;
	s8 =	sadd.s32 s8, s10;
	[dreg:$0x0] =	wrdreg $0x0  }
0xb0: {  	s10 =	sshll.u32 s28, $0x1;
	[dreg:$0x2] =	wrdreg s8  }
0xb1: {  	[dreg:$0x3] =	wrdreg s10  }
0xb2: {  	[dreg:$0x4] =	wrdreg $0xC0  }
0xb3: {  	_ =	task [dreg:s12], $0x5FFFF  }
0xb4: {  	[dreg:$0x1] =	wrdreg $0xFFFFFFFF  }
0xb5: {  	[dreg:$0x0] =	wrdreg $0x60  }
0xb6: {  	[dreg:$0x2] =	wrdreg s6  }
0xb7: {  	[dreg:$0x3] =	wrdreg s24  }
0xb8: {  	[dreg:$0x4] =	wrdreg s15  }
0xb9: {  	[dreg:$0x5] =	wrdreg s16  }
0xba: {  	[dreg:$0x6] =	wrdreg s17  }
0xbb: {  	[dreg:$0x7] =	wrdreg s18  }
0xbc: {  	[dreg:$0x8] =	wrdreg s7  }
0xbd: {  	[dreg:$0x9] =	wrdreg $0x9  }
0xbe: {  	_ =	task.clear_ibuf [dreg:s12], $0xAFFFF;
	_ =	strace $0x90000046  }
0xbf: {  	s29 =	simm.s32 $0x9;
	_ =	strace $0x80000048  }
0xc0: {  	_ =	swait.ge [sflag:s29], $0x1  }
0xc1: {  	[sflag:s29] =	ssyncadd.s32 $0xFFFFFFFF  }
0xc2: {  	_ =	strace $0x90000048  }
0xc3: {  	_ =	sfence  }
0xc4: {  	s30 =	sld [smem:$0x0];
	_ =	sdelay $0x2  }
0xc5: {  	s31 =	sshll.u32 s1, $0xD;
	s1 =	sshrl.u32 s1, $0x2  }
0xc6: {  	s3 =	sand.u32 $0x4000, s31;
	s1 =	sadd.s32 s1, s30  }
0xc7: {  	s0 =	sor.u32 s3, s0;
	s1 =	sshll.u32 s1, $0x11  }
0xc8: {  	s0 =	sor.u32 s1, s0  }
0xc9: {  	s0 =	sadd.s32 $0x8F2B, s0  }
0xca: {  	[sflag:s0] =	ssyncadd.remote.s32 $0x1  }
0xcb: {  	_ =	sfence.sel $0xFFFF  }
0xcc: {  	[dreg:$0x0] =	wrdreg $0xFFFFFFFF;
	(pc) =	sbr.abs _section_cstart, $3  }
0xcd: {  	[dreg:$0x1] =	wrdreg $0xFFFFFFFF  }
0xce: {  	_ =	task.clear_ibuf [dreg:s12], $0x2FFFF;
	_ =	strace $0x9FFFFFFF  }
0xcf: {  	(tm) =	ssettm $0x7FFFFFFF  }
tec
execute0_lowered:
.L_overlay_start_1:
0x0: {  	(tag) =	ssettag $0x1  }
0x1: {  	s0 =	rddreg [dreg:$0x0]  }
0x2: {  	s2 =	rddreg [dreg:$0x1]  }
0x3: {  	s6 =	rddreg [dreg:$0x2]  }
0x4: {  	s1 =	rddreg [dreg:$0x3]  }
0x5: {  	s16 =	rddreg [dreg:$0x4]  }
0x6: {  	s3 =	rddreg [dreg:$0x5]  }
0x7: {  	s4 =	srdreg.scid;
	s25 =	stileid.u32  }
0x8: {  	s18 =	rddreg [dreg:$0x6];
	s31 =	simm.s32 $0x5;
	s5 =	sand.u32 $0x1, s4  }
0x9: {  	s7 =	sshll.u32 s25, $0x1;
	s4 =	simm.s32 $0x0;
	p0 =	sgt.u32 s25, $0x1  }
0xa: {  	p3 =	sgt.u32 s25, $0x6;
	s17 =	sor.u32 s5, s7;
	[smem:$0x7FF] =	sst s4  }
0xb: {  	s11 =	ssub.s32 $0x2, s5;
	s5 =	sadd.s32 $0x1400, s2;
	s8 =	smul.u32 $0x2700, s17  }
0xc: {  	_ =	strace $0x80000047;
	s9 =	sshrl.u32 s11, $0x1;
	s19 =	smul.u32 $0x2780, s17  }
0xd: {  	s15 =	sshll.u32 s17, $0xB;
	s22 =	sshll.u32 s17, $0x4;
	s21 =	sor.u32 $0x20, s17  }
0xe: {  	s29 =	sshll.u32 s17, $0x7;
	p1 =	sne.s32 s17, $0xE;
	p2 =	sne.s32 s17, $0x0  }
0xf: {  	s20 =	ssub.s32 s11, s9;
	s9 =	sadd.s32 s5, s22;
	s23 =	sshll.u32 s21, $0xB  }
0x10: {  	s24 =	sshll.u32 s21, $0x4;
	s22 =	sor.u32 $0x40, s17;
	s30 =	sor.u32 $0x20, s29  }
0x11: {  	p4 =	sne.s32 @p1 s17, $0x0;
	s21 =	sshll.u32 s21, $0x7;
	s25 =	sor.u32 $0x60, s29  }
0x12: {  	s7 =	sadd.s32 $0x200, s8;
	s12 =	sshrl.u32 s19, $0x2;
	s8 =	sadd.s32 s0, s15  }
0x13: {  	s10 =	sadd.s32 s0, s23;
	s11 =	sadd.s32 s5, s24;
	s26 =	sshll.u32 s22, $0xB  }
0x14: {  	v23 =	vlaneseq.u32;
	s15 =	sadd.s32 $0x18E0, s2;
	s23 =	sor.u32 $0x30, s29;
	s24 =	sshll.u32 s22, $0x7  }
0x15: {  	p4 =	por p4, !p1;
	v2 =	vor.u32 s30, v23;
	s30 =	sor.u32 $0x40, s21;
	s13 =	sshrl.u32 s7, $0x2  }
0x16: {  	s19 =	smov.u32 @p0 s7;
	s14 =	sadd.s32 s6, s12;
	s12 =	sadd.s32 s0, s26  }
0x17: {  	v6 =	vor.u32 s25, v23;
	s26 =	sor.u32 $0x70, s29;
	v3 =	vor.u32 s23, v23;
	s23 =	sor.u32 $0x50, s21;
	s25 =	sor.u32 $0x10, s24  }
0x18: {  	s2 =	sor.u32 $0x20, s24;
	v12 =	vor.u32 s30, v23;
	s30 =	sor.u32 $0x70, s24;
	[dreg:$0x8] =	wrdreg s14  }
0x19: {  	s7 =	sadd.s32 s6, s13;
	s13 =	sshll.u32 s22, $0x4;
	s14 =	sadd.s32 $0x27000, s0  }
0x1a: {  	s28 =	sshrl.u32 s19, $0x2;
	s6 =	sor.u32 $0x10, s29;
	s19 =	smax.u32 s20, $0x1  }
0x1b: {  	v0 =	vor.u32 s29, v23;
	s20 =	sor.u32 $0x40, s29;
	s22 =	sor.u32 $0x50, s29;
	s29 =	sor.u32 $0x10, s21  }
0x1c: {  	v7 =	vor.u32 s26, v23;
	s26 =	sor.u32 $0x30, s24;
	s0 =	sor.u32 $0x50, s24;
	v13 =	vor.u32 s23, v23;
	s23 =	simm.s32 $0x18600  }
0x1d: {  	v24 =	vimm.s32 $0x0;
	v17 =	vor.u32 s25, v23;
	v18 =	vor.u32 s2, v23;
	s25 =	simm.s32 $0x4;
	s2 =	simm.s32 $0x0;
	s13 =	sadd.s32 s5, s13  }
0x1e: {  	v8 =	vor.u32 s21, v23;
	v16 =	vor.u32 s24, v23;
	s16 =	sadd.s32 s16, s28;
	s28 =	smul.u32 $0x27, s17;
	v1 =	vor.u32 s6, v23;
	s6 =	sor.u32 $0x30, s21  }
0x1f: {  	v4 =	vor.u32 s20, v23;
	v5 =	vor.u32 s22, v23;
	s20 =	sor.u32 $0x60, s21;
	s22 =	sor.u32 $0x70, s21;
	v9 =	vor.u32 s29, v23;
	s29 =	sor.u32 $0x40, s24  }
0x20: {  	v19 =	vor.u32 s26, v23;
	s26 =	simm.s32 $0x80;
	v11 =	vor.u32 s6, v23;
	s6 =	sor.u32 $0x60, s24;
	v14 =	vor.u32 s20, v23;
	s20 =	simm.s32 $0xC580  }
0x21: {  	v21 =	vor.u32 s0, v23;
	v15 =	vor.u32 s22, v23;
	s22 =	simm.s32 $0x10580;
	v20 =	vor.u32 s29, v23;
	s17 =	sadd.s32 s18, s28;
	s28 =	sor.u32 $0x20, s21  }
0x22: {  	s24 =	simm.s32 $0x1;
	s18 =	sadd.s32 $0x4E0, s18;
	s21 =	simm.s32 $0x18580;
	v22 =	vor.u32 s6, v23;
	v10 =	vor.u32 s28, v23;
	v23 =	vor.u32 s30, v23  }
.LBB2_1:
0x23: {  	[tilespmem:s4], [sflag:$0x1] =	stream.linear.gather [hbm4b:s5+s4], $0x2780, $0x38;
	[tilespmem:$0x19400] =	vst v63  }
0x24: {  	s0 =	simm.s32 @p0 $0x0;
	s6 =	simm.s32 @p0 $0x2780  }
0x25: {  	[tilespmem:s6], [sflag:$0x2] =	stream.linear.gather @p0 [hbm4b:s7+s0], $0x4E00, $0x38;
	[tilespmem:$0x19400] =	vst v63  }
0x26: {  	s28 =	rddreg [dreg:$0x8];
	s0 =	simm.s32 @!p0 $0x0;
	s6 =	simm.s32 @!p0 $0x2780  }
0x27: {  	[tilespmem:s6], [sflag:$0x2] =	stream.linear.gather @!p0 [hbm4b:s28+s0], $0x4F00, $0x38;
	[tilespmem:$0x19400] =	vst v63  }
0x28: {  	_ = 	snop  }
0x29: {  	[tilespmem:s20], [sflag:$0x4] =	stream.linear.gather [hbm4b:s8+s4], $0x4000, $0x38;
	[tilespmem:$0x19400] =	vst v63  }
0x2a: {  	_ = 	snop  }
0x2b: {  	[tilespmem:s21], [sflag:$0x4] =	stream.linear.gather [hbm4b:s9+s4], $0x80, $0x38;
	[tilespmem:$0x19400] =	vst v63  }
0x2c: {  	_ = 	snop  }
0x2d: {  	[tilespmem:s22], [sflag:$0x4] =	stream.linear.gather [hbm4b:s10+s4], $0x4000, $0x38;
	[tilespmem:$0x19400] =	vst v63  }
0x2e: {  	_ = 	snop  }
0x2f: {  	[tilespmem:s23], [sflag:$0x4] =	stream.linear.gather [hbm4b:s11+s4], $0x80, $0x38;
	[tilespmem:$0x19400] =	vst v63  }
0x30: {  	s0 =	simm.s32 @!p3 $0x0;
	s6 =	simm.s32 @!p3 $0x14580  }
0x31: {  	[tilespmem:s6], [sflag:$0x4] =	stream.linear.gather @!p3 [hbm4b:s12+s0], $0x4000, $0x38;
	[tilespmem:$0x19400] =	vst v63  }
0x32: {  	s6 =	simm.s32 @!p3 $0x18680  }
0x33: {  	[tilespmem:s6], [sflag:$0x4] =	stream.linear.gather @!p3 [hbm4b:s13+s0], $0x80, $0x38;
	[tilespmem:$0x19400] =	vst v63  }
0x34: {  	s0 =	simm.s32 @!p1 $0x0;
	s6 =	simm.s32 @!p1 $0x18980  }
0x35: {  	[tilespmem:s6], [sflag:$0x4] =	stream.linear.gather @!p1 [hbm4b:s14+s0], $0x800, $0x38;
	[tilespmem:$0x19400] =	vst v63  }
0x36: {  	s6 =	simm.s32 @!p1 $0x19180  }
0x37: {  	[tilespmem:s6], [sflag:$0x4] =	stream.linear.gather @!p1 [hbm4b:s15+s0], $0x10, $0x38;
	[tilespmem:$0x19400] =	vst v63  }
0x38: {  	_ =	swait.ge [sflag:s24], $0x2780  }
0x39: {  	[sflag:s24] =	ssyncset.done $0x0  }
0x3a: {  	s0 =	simm.s32 @p0 $0x2;
	[sflag:s24] =	ssyncadd.s32 $0xFFFFD880  }
0x3b: {  	_ =	swait.ge @p0 [sflag:s0], $0x4E00  }
0x3c: {  	[sflag:s0] =	ssyncset.done @p0 $0x0  }
0x3d: {  	[sflag:s0] =	ssyncadd.s32 @p0 $0xFFFFB200;
	s0 =	simm.s32 @!p0 $0x2  }
0x3e: {  	_ =	swait.ge @!p0 [sflag:s0], $0x4F00  }
0x3f: {  	s28 =	sand.u32 $0x7F00, s4;
	s6 =	sand.u32 $0x40, s4;
	[sflag:s0] =	ssyncset.done @!p0 $0x0  }
0x40: {  	[sflag:s0] =	ssyncadd.s32 @!p0 $0xFFFFB100;
	s0 =	sor.u32 s6, s28  }
0x41: {  	v25 =	vld [tilespmem:s0+$0x2780];
	_ =	sdelay $0x5  }
0x42: {  	v26 =	vld [tilespmem:s0+$0x2790];
	_ =	sdelay $0x1  }
0x43: {  	v25 =	vld.idx.msk [tilespmem:v25+s4+$0x0], $0xffff;
	_ =	sdelay $0x4  }
0x44: {  	v27 =	vld [tilespmem:s0+$0x27A0];
	[tilespmem:s0+$0x7680] =	vst v25  }
0x45: {  	v25 =	vld.idx.msk [tilespmem:v26+s4+$0x0], $0xffff;
	_ =	sdelay $0x4  }
0x46: {  	[tilespmem:s0+$0x7690] =	vst v25;
	v25 =	vld [tilespmem:s0+$0x27B0];
	_ =	sdelay $0x1  }
0x47: {  	v26 =	vld.idx.msk [tilespmem:v27+s4+$0x0], $0xffff;
	_ =	sdelay $0x1  }
0x48: {  	s6 =	simm.s32 $0x40;
	s28 =	simm.s32 $0x80  }
0x49: {  	s29 =	simm.s32 $0x80;
	s30 =	sand.u32 $0x40, s6;
	s6 =	sand.u32 $0x7F00, s28  }
.LBB2_2:
0x4a: {  	p5 =	sne.s32 s29, $0x26C0;
	s6 =	sor.u32 s30, s6  }
0x4b: {  	v27 =	vld [tilespmem:s6+$0x2780];
	[tilespmem:s0+$0x76A0] =	vst v26  }
0x4c: {  	v25 =	vld.idx.msk [tilespmem:v25+s4+$0x0], $0xffff;
	_ =	sdelay $0x5  }
0x4d: {  	v26 =	vld [tilespmem:s6+$0x2790];
	[tilespmem:s0+$0x76B0] =	vst v25;
	s0 =	smov.u32 s6  }
0x4e: {  	v25 =	vld.idx.msk [tilespmem:v27+s4+$0x0], $0xffff;
	_ =	sdelay $0x5  }
0x4f: {  	[tilespmem:s0+$0x7680] =	vst v25;
	v27 =	vld [tilespmem:s0+$0x27A0]  }
0x50: {  	v25 =	vld.idx.msk [tilespmem:v26+s4+$0x0], $0xffff;
	_ =	sdelay $0x5  }
0x51: {  	[tilespmem:s0+$0x7690] =	vst v25;
	v25 =	vld [tilespmem:s0+$0x27B0]  }
.Ltmp0:
0x52: {  	v26 =	vld.idx.msk [tilespmem:v27+s4+$0x0], $0xffff;
	(pc) =	sbr.rel @p5 .LBB2_2-.Ltmp0, $3  }
0x53: {  	_ =	sdelay $0x1  }
0x54: {  	s28 =	sadd.s32 $0x80, s28  }
0x55: {  	s30 =	sand.u32 $0x40, s29;
	s29 =	sadd.s32 $0x40, s29;
	s6 =	sand.u32 $0x7F00, s28  }
0x56: {  	_ = 	snop  }
0x57: {  	s6 =	sor.u32 s30, s6  }
0x58: {  	v27 =	vld [tilespmem:s6+$0x2780]  }
0x59: {  	[tilespmem:s0+$0x76A0] =	vst v26  }
0x5a: {  	v25 =	vld.idx.msk [tilespmem:v25+s4+$0x0], $0xffff;
	_ =	sdelay $0x3  }
0x5b: {  	v26 =	vld [tilespmem:s6+$0x2790]  }
0x5c: {  	[tilespmem:s0+$0x76B0] =	vst v25  }
0x5d: {  	v25 =	vld.idx.msk [tilespmem:v27+s4+$0x0], $0xffff;
	_ =	sdelay $0x3  }
0x5e: {  	v27 =	vld [tilespmem:s6+$0x27A0]  }
0x5f: {  	[tilespmem:s6+$0x7680] =	vst v25  }
0x60: {  	v25 =	vld.idx.msk [tilespmem:v26+s4+$0x0], $0xffff;
	_ =	sdelay $0x3  }
0x61: {  	v26 =	vld [tilespmem:s6+$0x27B0]  }
0x62: {  	[tilespmem:s6+$0x7690] =	vst v25  }
0x63: {  	v25 =	vld.idx.msk [tilespmem:v27+s4+$0x0], $0xffff;
	_ =	sdelay $0x4  }
0x64: {  	[tilespmem:s6+$0x76A0] =	vst v25  }
0x65: {  	v25 =	vld.idx.msk [tilespmem:v26+s4+$0x0], $0xffff;
	_ =	sdelay $0x4  }
0x66: {  	[tilespmem:s6+$0x76B0] =	vst v25  }
0x67: {  	v25 =	vld @!p0 [tilespmem:$0x7580];
	_ =	sdelay $0x5  }
0x68: {  	v26 =	vld @!p0 [tilespmem:$0x7590]  }
0x69: {  	s0 =	simm.s32 @!p0 $0x0  }
0x6a: {  	v25 =	vld.idx.msk @!p0 [tilespmem:v25+s0+$0x0], $0xffff;
	_ =	sdelay $0x3  }
0x6b: {  	v27 =	vld @!p0 [tilespmem:$0x75A0]  }
0x6c: {  	[tilespmem:$0xC480] =	vst @!p0 v25  }
0x6d: {  	v25 =	vld.idx.msk @!p0 [tilespmem:v26+s0+$0x0], $0xffff;
	_ =	sdelay $0x3  }
0x6e: {  	v26 =	vld @!p0 [tilespmem:$0x75B0]  }
0x6f: {  	[tilespmem:$0xC490] =	vst @!p0 v25  }
0x70: {  	v25 =	vld.idx.msk @!p0 [tilespmem:v27+s0+$0x0], $0xffff;
	_ =	sdelay $0x3  }
0x71: {  	v27 =	vld @!p0 [tilespmem:$0x75C0]  }
0x72: {  	[tilespmem:$0xC4A0] =	vst @!p0 v25  }
0x73: {  	v25 =	vld.idx.msk @!p0 [tilespmem:v26+s0+$0x0], $0xffff;
	_ =	sdelay $0x3  }
0x74: {  	v26 =	vld @!p0 [tilespmem:$0x75D0]  }
0x75: {  	[tilespmem:$0xC4B0] =	vst @!p0 v25  }
0x76: {  	v25 =	vld.idx.msk @!p0 [tilespmem:v27+s0+$0x0], $0xffff;
	_ =	sdelay $0x3  }
0x77: {  	v27 =	vld @!p0 [tilespmem:$0x75E0]  }
0x78: {  	[tilespmem:$0xC4C0] =	vst @!p0 v25  }
0x79: {  	v25 =	vld.idx.msk @!p0 [tilespmem:v26+s0+$0x0], $0xffff;
	_ =	sdelay $0x3  }
0x7a: {  	v26 =	vld @!p0 [tilespmem:$0x75F0]  }
0x7b: {  	[tilespmem:$0xC4D0] =	vst @!p0 v25  }
0x7c: {  	v25 =	vld.idx.msk @!p0 [tilespmem:v27+s0+$0x0], $0xffff;
	_ =	sdelay $0x4  }
0x7d: {  	[tilespmem:$0xC4E0] =	vst @!p0 v25  }
0x7e: {  	v25 =	vld.idx.msk @!p0 [tilespmem:v26+s0+$0x0], $0xffff;
	_ =	sdelay $0x4  }
0x7f: {  	p5 =	por $0x0, $0x0;
	s28 =	simm.s32 $0x0;
	s0 =	simm.s32 $0x0;
	[tilespmem:$0xC4F0] =	vst @!p0 v25  }
.LBB2_4:
0x80: {  	s6 =	simm.s32 $0x1  }
0x81: {  	s6 =	simm.s32 @!p5 $0x0  }
0x82: {  	s6 =	sshll.u32 s6, $0x6  }
0x83: {  	s6 =	sadd.s32 s6, s0  }
0x84: {  	s29 =	sor.u32 $0x80, s6  }
0x85: {  	v25 =	vld [tilespmem:s29+$0x2780];
	_ =	sdelay $0x7  }
0x86: {  	v25 =	vld.idx.msk [tilespmem:v25+s4+$0x0], $0xffff;
	_ =	sdelay $0x4  }
0x87: {  	s30 =	sor.u32 $0x90, s6;
	[tilespmem:s29+$0x7680] =	vst v25  }
0x88: {  	v25 =	vld [tilespmem:s30+$0x2780];
	_ =	sdelay $0x7  }
0x89: {  	v25 =	vld.idx.msk [tilespmem:v25+s4+$0x0], $0xffff;
	_ =	sdelay $0x4  }
0x8a: {  	[tilespmem:s30+$0x7680] =	vst v25;
	s30 =	sor.u32 $0xA0, s6  }
0x8b: {  	v25 =	vld [tilespmem:s30+$0x2780];
	_ =	sdelay $0x7  }
0x8c: {  	v25 =	vld.idx.msk [tilespmem:v25+s4+$0x0], $0xffff;
	_ =	sdelay $0x4  }
0x8d: {  	s6 =	sor.u32 $0xB0, s6;
	[tilespmem:s30+$0x7680] =	vst v25  }
0x8e: {  	v25 =	vld [tilespmem:s6+$0x2780];
	_ =	sdelay $0x7  }
0x8f: {  	p6 =	sne.s32 s28, $0x26C0;
	v25 =	vld.idx.msk [tilespmem:v25+s4+$0x0], $0xffff  }
.Ltmp1:
0x90: {  	_ = 	snop;
	(pc) =	sbr.rel @p6 .LBB2_4-.Ltmp1, $2  }
0x91: {  	_ =	sdelay $0x2  }
0x92: {  	s28 =	sadd.s32 $0x40, s28;
	p5 =	por !p5, !p5;
	s0 =	sadd.s32 $0x80, s0;
	[tilespmem:s6+$0x7680] =	vst v25  }
0x93: {  	s0 =	simm.s32 @p0 $0x0;
	s6 =	simm.s32 @p0 $0x7680  }
0x94: {  	[hbm4b:s16+s0] =	stream.linear.scatter @p0 [tilespmem:s6], [sflag:$0x3], $0x4E00, $0x38;
	[tilespmem:$0x19400] =	vst v63  }
0x95: {  	v25 =	vld @!p0 [tilespmem:$0x7600];
	_ =	sdelay $0x5  }
0x96: {  	v26 =	vld @!p0 [tilespmem:$0x7610]  }
0x97: {  	s0 =	simm.s32 @!p0 $0x0  }
0x98: {  	v25 =	vld.idx.msk @!p0 [tilespmem:v25+s0+$0x0], $0xffff;
	_ =	sdelay $0x3  }
0x99: {  	v27 =	vld @!p0 [tilespmem:$0x7620]  }
0x9a: {  	[tilespmem:$0xC500] =	vst @!p0 v25  }
0x9b: {  	v25 =	vld.idx.msk @!p0 [tilespmem:v26+s0+$0x0], $0xffff;
	_ =	sdelay $0x3  }
0x9c: {  	v26 =	vld @!p0 [tilespmem:$0x7630]  }
0x9d: {  	[tilespmem:$0xC510] =	vst @!p0 v25  }
0x9e: {  	v25 =	vld.idx.msk @!p0 [tilespmem:v27+s0+$0x0], $0xffff;
	_ =	sdelay $0x3  }
0x9f: {  	v27 =	vld @!p0 [tilespmem:$0x7640]  }
0xa0: {  	[tilespmem:$0xC520] =	vst @!p0 v25  }
0xa1: {  	v25 =	vld.idx.msk @!p0 [tilespmem:v26+s0+$0x0], $0xffff;
	_ =	sdelay $0x3  }
0xa2: {  	v26 =	vld @!p0 [tilespmem:$0x7650]  }
0xa3: {  	[tilespmem:$0xC530] =	vst @!p0 v25  }
0xa4: {  	v25 =	vld.idx.msk @!p0 [tilespmem:v27+s0+$0x0], $0xffff;
	_ =	sdelay $0x3  }
0xa5: {  	v27 =	vld @!p0 [tilespmem:$0x7660]  }
0xa6: {  	[tilespmem:$0xC540] =	vst @!p0 v25  }
0xa7: {  	v25 =	vld.idx.msk @!p0 [tilespmem:v26+s0+$0x0], $0xffff;
	_ =	sdelay $0x3  }
0xa8: {  	v26 =	vld @!p0 [tilespmem:$0x7670]  }
0xa9: {  	[tilespmem:$0xC550] =	vst @!p0 v25  }
0xaa: {  	v25 =	vld.idx.msk @!p0 [tilespmem:v27+s0+$0x0], $0xffff;
	_ =	sdelay $0x4  }
0xab: {  	[tilespmem:$0xC560] =	vst @!p0 v25  }
0xac: {  	v25 =	vld.idx.msk @!p0 [tilespmem:v26+s0+$0x0], $0xffff;
	_ =	sdelay $0x4  }
0xad: {  	s6 =	simm.s32 @!p0 $0x7680;
	[tilespmem:$0xC570] =	vst @!p0 v25  }
0xae: {  	[hbm4b:s16+s0] =	stream.linear.scatter @!p0 [tilespmem:s6], [sflag:$0x3], $0x4F00, $0x38;
	[tilespmem:$0x19400] =	vst v63  }
0xaf: {  	_ =	swait.ge [sflag:s25], $0x4000  }
0xb0: {  	[sflag:s25] =	ssyncset.done $0x0  }
0xb1: {  	[sflag:s25] =	ssyncadd.s32 $0xFFFFC000  }
0xb2: {  	_ =	swait.ge [sflag:s25], $0x80  }
0xb3: {  	[sflag:s25] =	ssyncset.done $0x0  }
0xb4: {  	[sflag:s25] =	ssyncadd.s32 $0xFFFFFF80  }
0xb5: {  	_ =	swait.ge [sflag:s25], $0x4000  }
0xb6: {  	[sflag:s25] =	ssyncset.done $0x0  }
0xb7: {  	[sflag:s25] =	ssyncadd.s32 $0xFFFFC000  }
0xb8: {  	_ =	swait.ge [sflag:s25], $0x80  }
0xb9: {  	[sflag:s25] =	ssyncset.done $0x0  }
0xba: {  	s0 =	simm.s32 @!p3 $0x4;
	[sflag:s25] =	ssyncadd.s32 $0xFFFFFF80  }
0xbb: {  	_ =	swait.ge @!p3 [sflag:s0], $0x4000  }
0xbc: {  	[sflag:s0] =	ssyncset.done @!p3 $0x0  }
0xbd: {  	[sflag:s0] =	ssyncadd.s32 @!p3 $0xFFFFC000  }
0xbe: {  	_ =	swait.ge @!p3 [sflag:s0], $0x80  }
0xbf: {  	[sflag:s0] =	ssyncset.done @!p3 $0x0  }
0xc0: {  	[sflag:s0] =	ssyncadd.s32 @!p3 $0xFFFFFF80;
	s0 =	simm.s32 @!p1 $0x4  }
0xc1: {  	_ =	swait.ge @!p1 [sflag:s0], $0x800  }
0xc2: {  	[sflag:s0] =	ssyncset.done @!p1 $0x0  }
0xc3: {  	[sflag:s0] =	ssyncadd.s32 @!p1 $0xFFFFF800  }
0xc4: {  	_ =	swait.ge @!p1 [sflag:s0], $0x10  }
0xc5: {  	[sflag:s0] =	ssyncset.done @!p1 $0x0  }
0xc6: {  	[sflag:s0] =	ssyncadd.s32 @!p1 $0xFFFFFFF0  }
0xc7: {  	[tilespmem:$0x18780] =	vst v0  }
0xc8: {  	[tilespmem:$0x18790] =	vst v1  }
0xc9: {  	[tilespmem:$0x187A0] =	vst v2  }
0xca: {  	[tilespmem:$0x187B0] =	vst v3  }
0xcb: {  	[tilespmem:$0x187C0] =	vst v4  }
0xcc: {  	[tilespmem:$0x187D0] =	vst v5  }
0xcd: {  	[tilespmem:$0x187E0] =	vst v6  }
0xce: {  	[tilespmem:$0x187F0] =	vst v7  }
0xcf: {  	[hbm4b:s1+s26] =	stream.indirect.scatter [tilespmem:s20], [sflag:$0x5], $0x80, s21, s26, $0xb8;
	[tilespmem:$0x19400] =	vst v63  }
0xd0: {  	s28 =	simm.s32 $0x18780  }
0xd1: {  	[hbm4b:s3+s26] =	stream.indirect.scatter [tilespmem:s28], [sflag:$0x5], $0x1, s21, s26, $0xb8;
	[tilespmem:$0x19400] =	vst v63  }
0xd2: {  	[tilespmem:$0x18800] =	vst v8  }
0xd3: {  	[tilespmem:$0x18810] =	vst v9  }
0xd4: {  	[tilespmem:$0x18820] =	vst v10  }
0xd5: {  	[tilespmem:$0x18830] =	vst v11  }
0xd6: {  	[tilespmem:$0x18840] =	vst v12  }
0xd7: {  	[tilespmem:$0x18850] =	vst v13  }
0xd8: {  	[tilespmem:$0x18860] =	vst v14  }
0xd9: {  	[tilespmem:$0x18870] =	vst v15  }
0xda: {  	[hbm4b:s1+s26] =	stream.indirect.scatter [tilespmem:s22], [sflag:$0x5], $0x80, s23, s26, $0xb8;
	[tilespmem:$0x19400] =	vst v63  }
0xdb: {  	s29 =	simm.s32 $0x18800  }
0xdc: {  	[hbm4b:s3+s26] =	stream.indirect.scatter [tilespmem:s29], [sflag:$0x5], $0x1, s23, s26, $0xb8;
	[tilespmem:$0x19400] =	vst v63  }
0xdd: {  	[tilespmem:$0x18880] =	vst @!p3 v16  }
0xde: {  	[tilespmem:$0x18890] =	vst @!p3 v17  }
0xdf: {  	[tilespmem:$0x188A0] =	vst @!p3 v18  }
0xe0: {  	[tilespmem:$0x188B0] =	vst @!p3 v19  }
0xe1: {  	[tilespmem:$0x188C0] =	vst @!p3 v20  }
0xe2: {  	[tilespmem:$0x188D0] =	vst @!p3 v21  }
0xe3: {  	[tilespmem:$0x188E0] =	vst @!p3 v22  }
0xe4: {  	s6 =	simm.s32 @!p3 $0x18680;
	s0 =	simm.s32 @!p3 $0x80;
	s28 =	simm.s32 @!p3 $0x14580;
	[tilespmem:$0x188F0] =	vst @!p3 v23  }
0xe5: {  	[hbm4b:s1+s0] =	stream.indirect.scatter @!p3 [tilespmem:s28], [sflag:$0x5], $0x80, s6, s0, $0xb8;
	[tilespmem:$0x19400] =	vst v63  }
0xe6: {  	v25 =	vlaneseq.u32 @!p1;
	s28 =	simm.s32 @!p3 $0x18880  }
0xe7: {  	v25 =	vor.u32 @!p1 $0x2700, v25;
	[hbm4b:s3+s0] =	stream.indirect.scatter @!p3 [tilespmem:s28], [sflag:$0x5], $0x1, s6, s0, $0xb8;
	[tilespmem:$0x19400] =	vst v63  }
0xe8: {  	s0 =	simm.s32 @!p1 $0x10;
	s6 =	simm.s32 @!p1 $0x19180;
	s28 =	simm.s32 @!p1 $0x18980;
	[tilespmem:$0x19200] =	vst @!p1 v25  }
0xe9: {  	[hbm4b:s1+s0] =	stream.indirect.scatter @!p1 [tilespmem:s28], [sflag:$0x5], $0x80, s6, s0, $0xb8;
	[tilespmem:$0x19400] =	vst v63  }
0xea: {  	s28 =	simm.s32 @!p1 $0x19200  }
0xeb: {  	[hbm4b:s3+s0] =	stream.indirect.scatter @!p1 [tilespmem:s28], [sflag:$0x5], $0x1, s6, s0, $0xb8;
	[tilespmem:$0x19400] =	vst v63  }
0xec: {  	[tilespmem:$0x19280] =	vst v24  }
0xed: {  	[tilespmem:$0x19290] =	vst v24  }
0xee: {  	[tilespmem:$0x192A0] =	vst v24  }
0xef: {  	[tilespmem:$0x192B0] =	vst v24  }
0xf0: {  	[tilespmem:$0x192C0] =	vst v24  }
0xf1: {  	[tilespmem:$0x192D0] =	vst v24  }
0xf2: {  	[tilespmem:$0x192E0] =	vst v24  }
0xf3: {  	[tilespmem:$0x192F0] =	vst v24  }
0xf4: {  	[tilespmem:$0x19300] =	vst v24  }
0xf5: {  	[tilespmem:$0x19310] =	vst v24  }
0xf6: {  	[tilespmem:$0x19320] =	vst v24  }
0xf7: {  	[tilespmem:$0x19330] =	vst v24  }
0xf8: {  	[tilespmem:$0x19340] =	vst v24  }
0xf9: {  	[tilespmem:$0x19350] =	vst v24  }
0xfa: {  	[tilespmem:$0x19360] =	vst v24  }
0xfb: {  	[tilespmem:$0x19370] =	vst v24  }
0xfc: {  	[tilespmem:$0x19380] =	vst v24  }
0xfd: {  	[tilespmem:$0x19390] =	vst v24  }
0xfe: {  	[tilespmem:$0x193A0] =	vst v24  }
0xff: {  	s30 =	simm.s32 $0x19280;
	[tilespmem:$0x193B0] =	vst v24  }
0x100: {  	[hbm4b:s17+s4] =	stream.linear.scatter [tilespmem:s30], [sflag:$0x3], $0x138, $0x38;
	[tilespmem:$0x19400] =	vst v63  }
0x101: {  	s0 =	simm.s32 @!p2 $0x0;
	s6 =	simm.s32 @!p2 $0x19280  }
0x102: {  	[hbm4b:s18+s0] =	stream.linear.scatter @!p2 [tilespmem:s6], [sflag:$0x3], $0x10, $0x38;
	[tilespmem:$0x19400] =	vst v63  }
0x103: {  	_ =	swait.ge [sflag:s31], $0x4000  }
0x104: {  	[sflag:s31] =	ssyncset.done $0x0  }
0x105: {  	[sflag:s31] =	ssyncadd.s32 $0xFFFFC000  }
0x106: {  	_ =	swait.ge [sflag:s31], $0x80  }
0x107: {  	[sflag:s31] =	ssyncset.done $0x0  }
0x108: {  	[sflag:s31] =	ssyncadd.s32 $0xFFFFFF80  }
0x109: {  	_ =	swait.ge [sflag:s31], $0x4000  }
0x10a: {  	[sflag:s31] =	ssyncset.done $0x0  }
0x10b: {  	[sflag:s31] =	ssyncadd.s32 $0xFFFFC000  }
0x10c: {  	_ =	swait.ge [sflag:s31], $0x80  }
0x10d: {  	[sflag:s31] =	ssyncset.done $0x0  }
0x10e: {  	s0 =	simm.s32 @!p3 $0x5;
	[sflag:s31] =	ssyncadd.s32 $0xFFFFFF80  }
0x10f: {  	_ =	swait.ge @!p3 [sflag:s0], $0x4000  }
0x110: {  	[sflag:s0] =	ssyncset.done @!p3 $0x0  }
0x111: {  	[sflag:s0] =	ssyncadd.s32 @!p3 $0xFFFFC000  }
0x112: {  	_ =	swait.ge @!p3 [sflag:s0], $0x80  }
0x113: {  	[sflag:s0] =	ssyncset.done @!p3 $0x0  }
0x114: {  	[sflag:s0] =	ssyncadd.s32 @!p3 $0xFFFFFF80;
	s0 =	simm.s32 @p1 $0x3  }
0x115: {  	_ =	swait.ge @p1 [sflag:s0], $0x138  }
0x116: {  	[sflag:s0] =	ssyncset.done @p1 $0x0  }
0x117: {  	[sflag:s0] =	ssyncadd.s32 @p1 $0xFFFFFEC8;
	s0 =	simm.s32 @!p4 $0x3  }
0x118: {  	_ =	swait.ge @!p4 [sflag:s0], $0x10  }
0x119: {  	[sflag:s0] =	ssyncset.done @!p4 $0x0  }
0x11a: {  	[sflag:s0] =	ssyncadd.s32 @!p4 $0xFFFFFFF0;
	s0 =	simm.s32 @!p1 $0x5  }
0x11b: {  	_ =	swait.ge @!p1 [sflag:s0], $0x800  }
0x11c: {  	[sflag:s0] =	ssyncset.done @!p1 $0x0  }
0x11d: {  	[sflag:s0] =	ssyncadd.s32 @!p1 $0xFFFFF800  }
0x11e: {  	_ =	swait.ge @!p1 [sflag:s0], $0x10  }
0x11f: {  	[sflag:s0] =	ssyncset.done @!p1 $0x0  }
0x120: {  	[sflag:s0] =	ssyncadd.s32 @!p1 $0xFFFFFFF0;
	s0 =	simm.s32 @!p1 $0x3  }
0x121: {  	_ =	swait.ge @!p1 [sflag:s0], $0x138  }
0x122: {  	[sflag:s0] =	ssyncset.done @!p1 $0x0  }
0x123: {  	s2 =	sadd.s32 $0x1, s2;
	[sflag:s0] =	ssyncadd.s32 @!p1 $0xFFFFFEC8;
	s0 =	simm.s32 @p0 $0x3  }
0x124: {  	p5 =	sne.s32 s2, s19;
	_ =	swait.ge @p0 [sflag:s0], $0x4E00  }
.Ltmp2:
0x125: {  	[sflag:s0] =	ssyncset.done @p0 $0x0;
	(pc) =	sbr.rel @p5 .LBB2_1-.Ltmp2, $4  }
0x126: {  	[sflag:s0] =	ssyncadd.s32 @p0 $0xFFFFB200;
	s0 =	simm.s32 @!p0 $0x3  }
0x127: {  	_ =	swait.ge @!p0 [sflag:s0], $0x4F00  }
0x128: {  	[sflag:s0] =	ssyncset.done @!p0 $0x0  }
0x129: {  	[sflag:s0] =	ssyncadd.s32 @!p0 $0xFFFFB100  }
0x12a: {  	_ =	sfence.sel $0x180000  }
0x12b: {  	[bflag:$0x0] =	sbarrier.arrive $0xFFFF  }
0x12c: {  	_ =	strace $0x90000047  }
0x12d: {  	s0 =	stileid.u32;
	[bflag:$0x2] =	sbarrier.arrive $0xFFFF  }
0x12e: {  	p0 =	sne.s32 s0, $0x0;
	s0 =	rddreg [dreg:$0x7]  }
0x12f: {  	s0 =	sadd.s32 @!p0 $0x100000, s0  }
0x130: {  	[sflag:s0] =	ssyncadd.tile.s32 @!p0 $0x1;
	_ =	shalt  }
.Lfunc_end2:
_tile_overlayer_lowered:
.L_overlay_start_2:
0x131: {  	(tag) =	ssettag $0x2  }
0x132: {  	s0 =	rddreg [dreg:$0x0];
	s2 =	stileid.u32  }
0x133: {  	s1 =	rddreg [dreg:$0x1];
	p0 =	sne.s32 s2, $0x0  }
0x134: {  	s3 =	rddreg [dreg:$0x2];
	[bflag:$0x3] =	sbarrier.arrive $0xFFFF;
	s2 =	simm.s32 @!p0 $0x1C06  }
0x135: {  	[timem:s3], [sflag:s2] =	dma.local @!p0 [hbm:s0], s1  }
0x136: {  	s0 =	simm.s32 @!p0 $0x6  }
0x137: {  	_ =	swait.ge @!p0 [sflag:s0], s1  }
0x138: {  	s1 =	ssub.s32 @!p0 $0x0, s1;
	[sflag:s0] =	ssyncset.done @!p0 $0x0  }
0x139: {  	[sflag:s0] =	ssyncadd.s32 @!p0 s1  }
0x13a: {  	[bflag:$0x3] =	sbarrier.arrive $0xFFFF  }
0x13b: {  	_ =	shalt  }

</sc_bundles>
